<compile_context>
chip_gen: v7x
topology: tpu7x:2x2x1
jax: 0.10.2.dev20260603
libtpu: 0.0.44.dev20260713+nightly
codegen_flags: <defaults>
</compile_context>

<pallas_src>
import jax
import jax.numpy as jnp
from jax import lax
from jax.experimental import pallas as pl
from jax.experimental.pallas import tpu as pltpu
from jax.experimental.pallas import tpu_sc as plsc

E = 16
HID = 64
WIDE = E * HID
OUT_G = 8
BLK = 2048

L = 16
NC = 2
NS = 16
NW = NC * NS


def _route_sc(n):
    rw = n // NW
    ng = rw // L
    mesh = plsc.VectorSubcoreMesh(core_axis_name="c", subcore_axis_name="s")

    def body(ox_hbm, oy_hbm, oz_hbm, cb_hbm, cl_hbm,
             ox_v, oy_v, oz_v, cb_v, cl_v):
        wid = lax.axis_index("s") * NC + lax.axis_index("c")
        base = wid * rw
        pltpu.sync_copy(ox_hbm.at[pl.ds(base, rw)], ox_v)
        pltpu.sync_copy(oy_hbm.at[pl.ds(base, rw)], oy_v)
        pltpu.sync_copy(oz_hbm.at[pl.ds(base, rw)], oz_v)
        pltpu.sync_copy(cb_hbm, cb_v)

        cb = [[cb_v[k, e] for e in range(E)] for k in range(3)]

        def group(g, carry):
            vx = ox_v[pl.ds(g * L, L)]
            vy = oy_v[pl.ds(g * L, L)]
            vz = oz_v[pl.ds(g * L, L)]
            dx = vx - cb[0][0]
            dy = vy - cb[1][0]
            dz = vz - cb[2][0]
            best = dx * dx + dy * dy + dz * dz
            besti = jnp.zeros((L,), jnp.int32)
            for e in range(1, E):
                dx = vx - cb[0][e]
                dy = vy - cb[1][e]
                dz = vz - cb[2][e]
                d2 = dx * dx + dy * dy + dz * dz
                upd = d2 < best
                besti = jnp.where(upd, jnp.full((L,), e, jnp.int32), besti)
                best = jnp.where(upd, d2, best)
            cl_v[pl.ds(g * L, L)] = besti
            return carry

        lax.fori_loop(0, ng, group, 0)
        pltpu.sync_copy(cl_v, cl_hbm.at[pl.ds(base, rw)])

    return pl.kernel(
        body,
        mesh=mesh,
        out_type=jax.ShapeDtypeStruct((n,), jnp.int32),
        scratch_types=[
            pltpu.VMEM((rw,), jnp.float32),
            pltpu.VMEM((rw,), jnp.float32),
            pltpu.VMEM((rw,), jnp.float32),
            pltpu.VMEM((3, E, L), jnp.float32),
            pltpu.VMEM((rw,), jnp.int32),
        ],
    )


def _moe_body(cl_ref, d_ref, a_ref, w1c_ref, b1_ref,
              w2s_ref, b2p_ref, w3c_ref, b3c_ref, out_ref):
    x = jnp.concatenate([d_ref[...], a_ref[...]], axis=1)
    cluster = cl_ref[...]

    lane128 = jax.lax.broadcasted_iota(jnp.int32, (BLK, 128), 1)
    onehot = (lane128 == cluster).astype(jnp.float32)
    eidx = jax.lax.broadcasted_iota(jnp.int32, (BLK, WIDE), 1) // HID
    mask = (eidx == cluster).astype(jnp.float32)

    h1 = jnp.maximum(
        jnp.dot(x, w1c_ref[...], preferred_element_type=jnp.float32)
        + b1_ref[...], 0.0)
    h2 = jnp.maximum(
        jnp.dot(h1 * mask, w2s_ref[...], preferred_element_type=jnp.float32)
        + jnp.dot(onehot, b2p_ref[...], preferred_element_type=jnp.float32),
        0.0)
    r = jnp.dot(h2, w3c_ref[...], preferred_element_type=jnp.float32) \
        + b3c_ref[...]
    mask8 = (lane128 // OUT_G == cluster).astype(jnp.float32)
    rm = r * mask8
    rm = rm[:, :64] + rm[:, 64:]
    rm = rm[:, :32] + rm[:, 32:]
    rm = rm[:, :16] + rm[:, 16:]
    rm = rm[:, :8] + rm[:, 8:]
    out_ref[...] = jax.nn.sigmoid(rm[:, :3])


def kernel(origins, directions, appearance_embedding, centroids,
           W1, b1, W2, b2, W3, b3):
    n = origins.shape[0]
    o = origins[:, 0, :]
    d = directions[:, 0, :]
    a = appearance_embedding[:, 0, :]

    cbcast = jnp.broadcast_to(centroids.T[:, :, None], (3, E, L))
    cluster = _route_sc(n)(o[:, 0], o[:, 1], o[:, 2], cbcast)
    cl2 = cluster.reshape(n, 1)

    w1cat = W1.transpose(1, 0, 2).reshape(W1.shape[1], WIDE)
    b1cat = b1.reshape(1, WIDE)

    w2s = W2.reshape(WIDE, HID)
    b2p = jnp.pad(b2, ((0, 128 - E), (0, 0)))
    w3c = jnp.pad(W3, ((0, 0), (0, 0), (0, OUT_G - 3))) \
        .transpose(1, 0, 2).reshape(HID, E * OUT_G)
    b3c = jnp.pad(b3, ((0, 0), (0, OUT_G - 3))).reshape(1, E * OUT_G)

    grid = (n // BLK,)
    out = pl.pallas_call(
        _moe_body,
        grid=grid,
        in_specs=[
            pl.BlockSpec((BLK, 1), lambda i: (i, 0)),
            pl.BlockSpec((BLK, 3), lambda i: (i, 0)),
            pl.BlockSpec((BLK, 32), lambda i: (i, 0)),
            pl.BlockSpec((35, WIDE), lambda i: (0, 0)),
            pl.BlockSpec((1, WIDE), lambda i: (0, 0)),
            pl.BlockSpec((WIDE, HID), lambda i: (0, 0)),
            pl.BlockSpec((128, HID), lambda i: (0, 0)),
            pl.BlockSpec((HID, 128), lambda i: (0, 0)),
            pl.BlockSpec((1, 128), lambda i: (0, 0)),
        ],
        out_specs=pl.BlockSpec((BLK, 3), lambda i: (i, 0)),
        out_shape=jax.ShapeDtypeStruct((n, 3), jnp.float32),
    )(cl2, d, a, w1cat, b1cat, w2s, b2p, w3c, b3c)
    return out

# --- scband reference (transcript-rebuilt; emitter-appended) ---
"""Pipeline reference for scband-sky-field-ms-17119739642228 (READ-ONLY COPY).

The authoritative reference and input builder live on the scoring server;
editing this copy changes nothing except your own understanding.
"""

import jax, jax.numpy as jnp
import numpy as np

N = 32768
E = 16
APP_DIM = 32
HID = 64
IN_DIM = 3 + APP_DIM
OUT_DIM = 3


def setup_inputs(seed: int = 0) -> dict:
    key = jax.random.key(seed)
    ks = jax.random.split(key, 12)
    origins = jax.random.normal(ks[0], (N, 1, 3), dtype=jnp.float32)
    directions = jax.random.normal(ks[1], (N, 1, 3), dtype=jnp.float32)
    directions = directions / (jnp.linalg.norm(directions, axis=-1, keepdims=True) + 1e-6)
    appearance_embedding = jax.random.normal(ks[2], (N, 1, APP_DIM), dtype=jnp.float32)
    centroids = jax.random.normal(ks[3], (E, 3), dtype=jnp.float32)
    W1 = jax.random.normal(ks[4], (E, IN_DIM, HID), dtype=jnp.float32) * 0.1
    b1 = jnp.zeros((E, HID), dtype=jnp.float32)
    W2 = jax.random.normal(ks[5], (E, HID, HID), dtype=jnp.float32) * 0.1
    b2 = jnp.zeros((E, HID), dtype=jnp.float32)
    W3 = jax.random.normal(ks[6], (E, HID, OUT_DIM), dtype=jnp.float32) * 0.1
    b3 = jnp.zeros((E, OUT_DIM), dtype=jnp.float32)
    return {
        "origins": origins,
        "directions": directions,
        "appearance_embedding": appearance_embedding,
        "centroids": centroids,
        "W1": W1, "b1": b1,
        "W2": W2, "b2": b2,
        "W3": W3, "b3": b3,
    }


def reference(origins, directions, appearance_embedding, centroids, W1, b1, W2, b2, W3, b3):
    # Take the first sample along each ray, as in the torch module
    o = origins[:, 0, :]              # [N, 3]
    d = directions[:, 0, :]           # [N, 3]
    a = appearance_embedding[:, 0, :] # [N, APP_DIM]

    # cdist + argmin -> hard cluster (expert) assignment per ray
    diff = o[:, None, :] - centroids[None, :, :]          # [N, E, 3]
    dist = jnp.sqrt(jnp.sum(diff * diff, axis=-1))        # [N, E]
    cluster = jnp.argmin(dist, axis=1)                    # [N] int

    x = jnp.concatenate([d, a], axis=-1)                  # [N, IN_DIM]

    # Dispatch: gather per-ray expert parameters (sparse routing)
    w1 = jnp.take(W1, cluster, axis=0)                    # [N, IN_DIM, HID]
    bb1 = jnp.take(b1, cluster, axis=0)                   # [N, HID]
    w2 = jnp.take(W2, cluster, axis=0)                    # [N, HID, HID]
    bb2 = jnp.take(b2, cluster, axis=0)                   # [N, HID]
    w3 = jnp.take(W3, cluster, axis=0)                    # [N, HID, OUT_DIM]
    bb3 = jnp.take(b3, cluster, axis=0)                   # [N, OUT_DIM]

    h = jax.nn.relu(jnp.einsum('ni,nio->no', x, w1) + bb1)
    h = jax.nn.relu(jnp.einsum('ni,nio->no', h, w2) + bb2)
    rgb = jax.nn.sigmoid(jnp.einsum('ni,nio->no', h, w3) + bb3)  # [N, 3]
    return rgb

if __name__ == "__main__":
    import jax
    _d = setup_inputs()
    print(jax.jit(kernel)(*tuple(_d.values())))

</pallas_src>

<mosaic_0001>
#map = affine_map<(d0, d1) -> (0)>
#map1 = affine_map<(d0, d1) -> (0, 0, 0)>
module attributes {stable_mosaic.version = 14 : i64} {
  func.func @body(%arg0: i32, %arg1: i32, %arg2: memref<32768xf32, #tpu.memory_space<hbm>>, %arg3: memref<32768xf32, #tpu.memory_space<hbm>>, %arg4: memref<32768xf32, #tpu.memory_space<hbm>>, %arg5: memref<3x16x16xf32, #tpu.memory_space<hbm>>, %arg6: memref<32768xi32, #tpu.memory_space<hbm>>, %arg7: memref<1024xf32, #tpu.memory_space<vmem>>, %arg8: memref<1024xf32, #tpu.memory_space<vmem>>, %arg9: memref<1024xf32, #tpu.memory_space<vmem>>, %arg10: memref<3x16x16xf32, #tpu.memory_space<vmem>>, %arg11: memref<1024xi32, #tpu.memory_space<vmem>>) attributes {dimension_semantics = [#tpu.dimension_semantics<core_parallel>, #tpu.dimension_semantics<subcore_parallel>], iteration_bounds = array<i64: 2, 16>, scalar_prefetch = 0 : i64, scratch_operands = 5 : i64, tpu.core_type = #tpu.core_type<sc_vector_subcore>, window_params = [{transform_indices = #map}, {transform_indices = #map}, {transform_indices = #map}, {transform_indices = #map1}, {transform_indices = #map}]} {
    %mul3A = arith.constant 2 : i32
    %mul3A_0 = arith.muli %arg1, %mul3A : i32
    %add3A = arith.addi %mul3A_0, %arg0 : i32
    %mul3A_1 = arith.constant 1024 : i32
    %mul3A_2 = arith.muli %add3A, %mul3A_1 : i32
    "tpu.region"() ({
      %run_scoped3A = tpu.sem_alloc : memref<!tpu.dma_semaphore, #tpu.memory_space<semaphore_mem>>
      %dma_start3A = tpu.memref_slice %arg2[%mul3A_2] : memref<32768xf32, #tpu.memory_space<hbm>> -> memref<1024xf32, #tpu.memory_space<hbm>>
      %dma_start3A_343 = tpu.memref_slice %arg2[%mul3A_2] : memref<32768xf32, #tpu.memory_space<hbm>> -> memref<1024xf32, #tpu.memory_space<hbm>>
      tpu.enqueue_dma source(%dma_start3A_343 : memref<1024xf32, #tpu.memory_space<hbm>>) target(%arg7 : memref<1024xf32, #tpu.memory_space<vmem>>) target_semaphore(%run_scoped3A : memref<!tpu.dma_semaphore, #tpu.memory_space<semaphore_mem>>)
      %dma_wait3A = tpu.memref_slice %arg2[%mul3A_2] : memref<32768xf32, #tpu.memory_space<hbm>> -> memref<1024xf32, #tpu.memory_space<hbm>>
      %dma_wait3A_344 = tpu.memref_slice %arg2[%mul3A_2] : memref<32768xf32, #tpu.memory_space<hbm>> -> memref<1024xf32, #tpu.memory_space<hbm>>
      tpu.wait_dma2 semaphore(%run_scoped3A : memref<!tpu.dma_semaphore, #tpu.memory_space<semaphore_mem>>) src(%dma_wait3A_344 : memref<1024xf32, #tpu.memory_space<hbm>>) dst(%arg7 : memref<1024xf32, #tpu.memory_space<vmem>>)
      tpu.yield
    }) : () -> ()
    "tpu.region"() ({
      %run_scoped3A = tpu.sem_alloc : memref<!tpu.dma_semaphore, #tpu.memory_space<semaphore_mem>>
      %dma_start3A = tpu.memref_slice %arg3[%mul3A_2] : memref<32768xf32, #tpu.memory_space<hbm>> -> memref<1024xf32, #tpu.memory_space<hbm>>
      %dma_start3A_343 = tpu.memref_slice %arg3[%mul3A_2] : memref<32768xf32, #tpu.memory_space<hbm>> -> memref<1024xf32, #tpu.memory_space<hbm>>
      tpu.enqueue_dma source(%dma_start3A_343 : memref<1024xf32, #tpu.memory_space<hbm>>) target(%arg8 : memref<1024xf32, #tpu.memory_space<vmem>>) target_semaphore(%run_scoped3A : memref<!tpu.dma_semaphore, #tpu.memory_space<semaphore_mem>>)
      %dma_wait3A = tpu.memref_slice %arg3[%mul3A_2] : memref<32768xf32, #tpu.memory_space<hbm>> -> memref<1024xf32, #tpu.memory_space<hbm>>
      %dma_wait3A_344 = tpu.memref_slice %arg3[%mul3A_2] : memref<32768xf32, #tpu.memory_space<hbm>> -> memref<1024xf32, #tpu.memory_space<hbm>>
      tpu.wait_dma2 semaphore(%run_scoped3A : memref<!tpu.dma_semaphore, #tpu.memory_space<semaphore_mem>>) src(%dma_wait3A_344 : memref<1024xf32, #tpu.memory_space<hbm>>) dst(%arg8 : memref<1024xf32, #tpu.memory_space<vmem>>)
      tpu.yield
    }) : () -> ()
    "tpu.region"() ({
      %run_scoped3A = tpu.sem_alloc : memref<!tpu.dma_semaphore, #tpu.memory_space<semaphore_mem>>
      %dma_start3A = tpu.memref_slice %arg4[%mul3A_2] : memref<32768xf32, #tpu.memory_space<hbm>> -> memref<1024xf32, #tpu.memory_space<hbm>>
      %dma_start3A_343 = tpu.memref_slice %arg4[%mul3A_2] : memref<32768xf32, #tpu.memory_space<hbm>> -> memref<1024xf32, #tpu.memory_space<hbm>>
      tpu.enqueue_dma source(%dma_start3A_343 : memref<1024xf32, #tpu.memory_space<hbm>>) target(%arg9 : memref<1024xf32, #tpu.memory_space<vmem>>) target_semaphore(%run_scoped3A : memref<!tpu.dma_semaphore, #tpu.memory_space<semaphore_mem>>)
      %dma_wait3A = tpu.memref_slice %arg4[%mul3A_2] : memref<32768xf32, #tpu.memory_space<hbm>> -> memref<1024xf32, #tpu.memory_space<hbm>>
      %dma_wait3A_344 = tpu.memref_slice %arg4[%mul3A_2] : memref<32768xf32, #tpu.memory_space<hbm>> -> memref<1024xf32, #tpu.memory_space<hbm>>
      tpu.wait_dma2 semaphore(%run_scoped3A : memref<!tpu.dma_semaphore, #tpu.memory_space<semaphore_mem>>) src(%dma_wait3A_344 : memref<1024xf32, #tpu.memory_space<hbm>>) dst(%arg9 : memref<1024xf32, #tpu.memory_space<vmem>>)
      tpu.yield
    }) : () -> ()
    "tpu.region"() ({
      %run_scoped3A = tpu.sem_alloc : memref<!tpu.dma_semaphore, #tpu.memory_space<semaphore_mem>>
      tpu.enqueue_dma source(%arg5 : memref<3x16x16xf32, #tpu.memory_space<hbm>>) target(%arg10 : memref<3x16x16xf32, #tpu.memory_space<vmem>>) target_semaphore(%run_scoped3A : memref<!tpu.dma_semaphore, #tpu.memory_space<semaphore_mem>>)
      tpu.wait_dma2 semaphore(%run_scoped3A : memref<!tpu.dma_semaphore, #tpu.memory_space<semaphore_mem>>) src(%arg5 : memref<3x16x16xf32, #tpu.memory_space<hbm>>) dst(%arg10 : memref<3x16x16xf32, #tpu.memory_space<vmem>>)
      tpu.yield
    }) : () -> ()
    %get3A = arith.constant 0 : i32
    %get3A_3 = arith.constant 0 : i32
    %get3A_4 = arith.index_cast %get3A : i32 to index
    %get3A_5 = arith.index_cast %get3A_3 : i32 to index
    %get3A_6 = arith.constant 0 : index
    %get3A_7 = tpu.vector_load %arg10[%get3A_4, %get3A_5, %get3A_6] {strides = array<i32>} : memref<3x16x16xf32, #tpu.memory_space<vmem>>, vector<1x1x16xf32>,
    %get3A_8 = vector.shape_cast %get3A_7 : vector<1x1x16xf32> to vector<16xf32>
    %get3A_9 = arith.constant 0 : i32
    %get3A_10 = arith.constant 1 : i32
    %get3A_11 = arith.index_cast %get3A_9 : i32 to index
    %get3A_12 = arith.index_cast %get3A_10 : i32 to index
    %get3A_13 = arith.constant 0 : index
    %get3A_14 = tpu.vector_load %arg10[%get3A_11, %get3A_12, %get3A_13] {strides = array<i32>} : memref<3x16x16xf32, #tpu.memory_space<vmem>>, vector<1x1x16xf32>,
    %get3A_15 = vector.shape_cast %get3A_14 : vector<1x1x16xf32> to vector<16xf32>
    %get3A_16 = arith.constant 0 : i32
    %get3A_17 = arith.constant 2 : i32
    %get3A_18 = arith.index_cast %get3A_16 : i32 to index
    %get3A_19 = arith.index_cast %get3A_17 : i32 to index
    %get3A_20 = arith.constant 0 : index
    %get3A_21 = tpu.vector_load %arg10[%get3A_18, %get3A_19, %get3A_20] {strides = array<i32>} : memref<3x16x16xf32, #tpu.memory_space<vmem>>, vector<1x1x16xf32>,
    %get3A_22 = vector.shape_cast %get3A_21 : vector<1x1x16xf32> to vector<16xf32>
    %get3A_23 = arith.constant 0 : i32
    %get3A_24 = arith.constant 3 : i32
    %get3A_25 = arith.index_cast %get3A_23 : i32 to index
    %get3A_26 = arith.index_cast %get3A_24 : i32 to index
    %get3A_27 = arith.constant 0 : index
    %get3A_28 = tpu.vector_load %arg10[%get3A_25, %get3A_26, %get3A_27] {strides = array<i32>} : memref<3x16x16xf32, #tpu.memory_space<vmem>>, vector<1x1x16xf32>,
    %get3A_29 = vector.shape_cast %get3A_28 : vector<1x1x16xf32> to vector<16xf32>
    %get3A_30 = arith.constant 0 : i32
    %get3A_31 = arith.constant 4 : i32
    %get3A_32 = arith.index_cast %get3A_30 : i32 to index
    %get3A_33 = arith.index_cast %get3A_31 : i32 to index
    %get3A_34 = arith.constant 0 : index
    %get3A_35 = tpu.vector_load %arg10[%get3A_32, %get3A_33, %get3A_34] {strides = array<i32>} : memref<3x16x16xf32, #tpu.memory_space<vmem>>, vector<1x1x16xf32>,
    %get3A_36 = vector.shape_cast %get3A_35 : vector<1x1x16xf32> to vector<16xf32>
    %get3A_37 = arith.constant 0 : i32
    %get3A_38 = arith.constant 5 : i32
    %get3A_39 = arith.index_cast %get3A_37 : i32 to index
    %get3A_40 = arith.index_cast %get3A_38 : i32 to index
    %get3A_41 = arith.constant 0 : index
    %get3A_42 = tpu.vector_load %arg10[%get3A_39, %get3A_40, %get3A_41] {strides = array<i32>} : memref<3x16x16xf32, #tpu.memory_space<vmem>>, vector<1x1x16xf32>,
    %get3A_43 = vector.shape_cast %get3A_42 : vector<1x1x16xf32> to vector<16xf32>
    %get3A_44 = arith.constant 0 : i32
    %get3A_45 = arith.constant 6 : i32
    %get3A_46 = arith.index_cast %get3A_44 : i32 to index
    %get3A_47 = arith.index_cast %get3A_45 : i32 to index
    %get3A_48 = arith.constant 0 : index
    %get3A_49 = tpu.vector_load %arg10[%get3A_46, %get3A_47, %get3A_48] {strides = array<i32>} : memref<3x16x16xf32, #tpu.memory_space<vmem>>, vector<1x1x16xf32>,
    %get3A_50 = vector.shape_cast %get3A_49 : vector<1x1x16xf32> to vector<16xf32>
    %get3A_51 = arith.constant 0 : i32
    %get3A_52 = arith.constant 7 : i32
    %get3A_53 = arith.index_cast %get3A_51 : i32 to index
    %get3A_54 = arith.index_cast %get3A_52 : i32 to index
    %get3A_55 = arith.constant 0 : index
    %get3A_56 = tpu.vector_load %arg10[%get3A_53, %get3A_54, %get3A_55] {strides = array<i32>} : memref<3x16x16xf32, #tpu.memory_space<vmem>>, vector<1x1x16xf32>,
    %get3A_57 = vector.shape_cast %get3A_56 : vector<1x1x16xf32> to vector<16xf32>
    %get3A_58 = arith.constant 0 : i32
    %get3A_59 = arith.constant 8 : i32
    %get3A_60 = arith.index_cast %get3A_58 : i32 to index
    %get3A_61 = arith.index_cast %get3A_59 : i32 to index
    %get3A_62 = arith.constant 0 : index
    %get3A_63 = tpu.vector_load %arg10[%get3A_60, %get3A_61, %get3A_62] {strides = array<i32>} : memref<3x16x16xf32, #tpu.memory_space<vmem>>, vector<1x1x16xf32>,
    %get3A_64 = vector.shape_cast %get3A_63 : vector<1x1x16xf32> to vector<16xf32>
    %get3A_65 = arith.constant 0 : i32
    %get3A_66 = arith.constant 9 : i32
    %get3A_67 = arith.index_cast %get3A_65 : i32 to index
    %get3A_68 = arith.index_cast %get3A_66 : i32 to index
    %get3A_69 = arith.constant 0 : index
    %get3A_70 = tpu.vector_load %arg10[%get3A_67, %get3A_68, %get3A_69] {strides = array<i32>} : memref<3x16x16xf32, #tpu.memory_space<vmem>>, vector<1x1x16xf32>,
    %get3A_71 = vector.shape_cast %get3A_70 : vector<1x1x16xf32> to vector<16xf32>
    %get3A_72 = arith.constant 0 : i32
    %get3A_73 = arith.constant 10 : i32
    %get3A_74 = arith.index_cast %get3A_72 : i32 to index
    %get3A_75 = arith.index_cast %get3A_73 : i32 to index
    %get3A_76 = arith.constant 0 : index
    %get3A_77 = tpu.vector_load %arg10[%get3A_74, %get3A_75, %get3A_76] {strides = array<i32>} : memref<3x16x16xf32, #tpu.memory_space<vmem>>, vector<1x1x16xf32>,
    %get3A_78 = vector.shape_cast %get3A_77 : vector<1x1x16xf32> to vector<16xf32>
    %get3A_79 = arith.constant 0 : i32
    %get3A_80 = arith.constant 11 : i32
    %get3A_81 = arith.index_cast %get3A_79 : i32 to index
    %get3A_82 = arith.index_cast %get3A_80 : i32 to index
    %get3A_83 = arith.constant 0 : index
    %get3A_84 = tpu.vector_load %arg10[%get3A_81, %get3A_82, %get3A_83] {strides = array<i32>} : memref<3x16x16xf32, #tpu.memory_space<vmem>>, vector<1x1x16xf32>,
    %get3A_85 = vector.shape_cast %get3A_84 : vector<1x1x16xf32> to vector<16xf32>
    %get3A_86 = arith.constant 0 : i32
    %get3A_87 = arith.constant 12 : i32
    %get3A_88 = arith.index_cast %get3A_86 : i32 to index
    %get3A_89 = arith.index_cast %get3A_87 : i32 to index
    %get3A_90 = arith.constant 0 : index
    %get3A_91 = tpu.vector_load %arg10[%get3A_88, %get3A_89, %get3A_90] {strides = array<i32>} : memref<3x16x16xf32, #tpu.memory_space<vmem>>, vector<1x1x16xf32>,
    %get3A_92 = vector.shape_cast %get3A_91 : vector<1x1x16xf32> to vector<16xf32>
    %get3A_93 = arith.constant 0 : i32
    %get3A_94 = arith.constant 13 : i32
    %get3A_95 = arith.index_cast %get3A_93 : i32 to index
    %get3A_96 = arith.index_cast %get3A_94 : i32 to index
    %get3A_97 = arith.constant 0 : index
    %get3A_98 = tpu.vector_load %arg10[%get3A_95, %get3A_96, %get3A_97] {strides = array<i32>} : memref<3x16x16xf32, #tpu.memory_space<vmem>>, vector<1x1x16xf32>,
    %get3A_99 = vector.shape_cast %get3A_98 : vector<1x1x16xf32> to vector<16xf32>
    %get3A_100 = arith.constant 0 : i32
    %get3A_101 = arith.constant 14 : i32
    %get3A_102 = arith.index_cast %get3A_100 : i32 to index
    %get3A_103 = arith.index_cast %get3A_101 : i32 to index
    %get3A_104 = arith.constant 0 : index
    %get3A_105 = tpu.vector_load %arg10[%get3A_102, %get3A_103, %get3A_104] {strides = array<i32>} : memref<3x16x16xf32, #tpu.memory_space<vmem>>, vector<1x1x16xf32>,
    %get3A_106 = vector.shape_cast %get3A_105 : vector<1x1x16xf32> to vector<16xf32>
    %get3A_107 = arith.constant 0 : i32
    %get3A_108 = arith.constant 15 : i32
    %get3A_109 = arith.index_cast %get3A_107 : i32 to index
    %get3A_110 = arith.index_cast %get3A_108 : i32 to index
    %get3A_111 = arith.constant 0 : index
    %get3A_112 = tpu.vector_load %arg10[%get3A_109, %get3A_110, %get3A_111] {strides = array<i32>} : memref<3x16x16xf32, #tpu.memory_space<vmem>>, vector<1x1x16xf32>,
    %get3A_113 = vector.shape_cast %get3A_112 : vector<1x1x16xf32> to vector<16xf32>
    %get3A_114 = arith.constant 1 : i32
    %get3A_115 = arith.constant 0 : i32
    %get3A_116 = arith.index_cast %get3A_114 : i32 to index
    %get3A_117 = arith.index_cast %get3A_115 : i32 to index
    %get3A_118 = arith.constant 0 : index
    %get3A_119 = tpu.vector_load %arg10[%get3A_116, %get3A_117, %get3A_118] {strides = array<i32>} : memref<3x16x16xf32, #tpu.memory_space<vmem>>, vector<1x1x16xf32>,
    %get3A_120 = vector.shape_cast %get3A_119 : vector<1x1x16xf32> to vector<16xf32>
    %get3A_121 = arith.constant 1 : i32
    %get3A_122 = arith.constant 1 : i32
    %get3A_123 = arith.index_cast %get3A_121 : i32 to index
    %get3A_124 = arith.index_cast %get3A_122 : i32 to index
    %get3A_125 = arith.constant 0 : index
    %get3A_126 = tpu.vector_load %arg10[%get3A_123, %get3A_124, %get3A_125] {strides = array<i32>} : memref<3x16x16xf32, #tpu.memory_space<vmem>>, vector<1x1x16xf32>,
    %get3A_127 = vector.shape_cast %get3A_126 : vector<1x1x16xf32> to vector<16xf32>
    %get3A_128 = arith.constant 1 : i32
    %get3A_129 = arith.constant 2 : i32
    %get3A_130 = arith.index_cast %get3A_128 : i32 to index
    %get3A_131 = arith.index_cast %get3A_129 : i32 to index
    %get3A_132 = arith.constant 0 : index
    %get3A_133 = tpu.vector_load %arg10[%get3A_130, %get3A_131, %get3A_132] {strides = array<i32>} : memref<3x16x16xf32, #tpu.memory_space<vmem>>, vector<1x1x16xf32>,
    %get3A_134 = vector.shape_cast %get3A_133 : vector<1x1x16xf32> to vector<16xf32>
    %get3A_135 = arith.constant 1 : i32
    %get3A_136 = arith.constant 3 : i32
    %get3A_137 = arith.index_cast %get3A_135 : i32 to index
    %get3A_138 = arith.index_cast %get3A_136 : i32 to index
    %get3A_139 = arith.constant 0 : index
    %get3A_140 = tpu.vector_load %arg10[%get3A_137, %get3A_138, %get3A_139] {strides = array<i32>} : memref<3x16x16xf32, #tpu.memory_space<vmem>>, vector<1x1x16xf32>,
    %get3A_141 = vector.shape_cast %get3A_140 : vector<1x1x16xf32> to vector<16xf32>
    %get3A_142 = arith.constant 1 : i32
    %get3A_143 = arith.constant 4 : i32
    %get3A_144 = arith.index_cast %get3A_142 : i32 to index
    %get3A_145 = arith.index_cast %get3A_143 : i32 to index
    %get3A_146 = arith.constant 0 : index
    %get3A_147 = tpu.vector_load %arg10[%get3A_144, %get3A_145, %get3A_146] {strides = array<i32>} : memref<3x16x16xf32, #tpu.memory_space<vmem>>, vector<1x1x16xf32>,
    %get3A_148 = vector.shape_cast %get3A_147 : vector<1x1x16xf32> to vector<16xf32>
    %get3A_149 = arith.constant 1 : i32
    %get3A_150 = arith.constant 5 : i32
    %get3A_151 = arith.index_cast %get3A_149 : i32 to index
    %get3A_152 = arith.index_cast %get3A_150 : i32 to index
    %get3A_153 = arith.constant 0 : index
    %get3A_154 = tpu.vector_load %arg10[%get3A_151, %get3A_152, %get3A_153] {strides = array<i32>} : memref<3x16x16xf32, #tpu.memory_space<vmem>>, vector<1x1x16xf32>,
    %get3A_155 = vector.shape_cast %get3A_154 : vector<1x1x16xf32> to vector<16xf32>
    %get3A_156 = arith.constant 1 : i32
    %get3A_157 = arith.constant 6 : i32
    %get3A_158 = arith.index_cast %get3A_156 : i32 to index
    %get3A_159 = arith.index_cast %get3A_157 : i32 to index
    %get3A_160 = arith.constant 0 : index
    %get3A_161 = tpu.vector_load %arg10[%get3A_158, %get3A_159, %get3A_160] {strides = array<i32>} : memref<3x16x16xf32, #tpu.memory_space<vmem>>, vector<1x1x16xf32>,
    %get3A_162 = vector.shape_cast %get3A_161 : vector<1x1x16xf32> to vector<16xf32>
    %get3A_163 = arith.constant 1 : i32
    %get3A_164 = arith.constant 7 : i32
    %get3A_165 = arith.index_cast %get3A_163 : i32 to index
    %get3A_166 = arith.index_cast %get3A_164 : i32 to index
    %get3A_167 = arith.constant 0 : index
    %get3A_168 = tpu.vector_load %arg10[%get3A_165, %get3A_166, %get3A_167] {strides = array<i32>} : memref<3x16x16xf32, #tpu.memory_space<vmem>>, vector<1x1x16xf32>,
    %get3A_169 = vector.shape_cast %get3A_168 : vector<1x1x16xf32> to vector<16xf32>
    %get3A_170 = arith.constant 1 : i32
    %get3A_171 = arith.constant 8 : i32
    %get3A_172 = arith.index_cast %get3A_170 : i32 to index
    %get3A_173 = arith.index_cast %get3A_171 : i32 to index
    %get3A_174 = arith.constant 0 : index
    %get3A_175 = tpu.vector_load %arg10[%get3A_172, %get3A_173, %get3A_174] {strides = array<i32>} : memref<3x16x16xf32, #tpu.memory_space<vmem>>, vector<1x1x16xf32>,
    %get3A_176 = vector.shape_cast %get3A_175 : vector<1x1x16xf32> to vector<16xf32>
    %get3A_177 = arith.constant 1 : i32
    %get3A_178 = arith.constant 9 : i32
    %get3A_179 = arith.index_cast %get3A_177 : i32 to index
    %get3A_180 = arith.index_cast %get3A_178 : i32 to index
    %get3A_181 = arith.constant 0 : index
    %get3A_182 = tpu.vector_load %arg10[%get3A_179, %get3A_180, %get3A_181] {strides = array<i32>} : memref<3x16x16xf32, #tpu.memory_space<vmem>>, vector<1x1x16xf32>,
    %get3A_183 = vector.shape_cast %get3A_182 : vector<1x1x16xf32> to vector<16xf32>
    %get3A_184 = arith.constant 1 : i32
    %get3A_185 = arith.constant 10 : i32
    %get3A_186 = arith.index_cast %get3A_184 : i32 to index
    %get3A_187 = arith.index_cast %get3A_185 : i32 to index
    %get3A_188 = arith.constant 0 : index
    %get3A_189 = tpu.vector_load %arg10[%get3A_186, %get3A_187, %get3A_188] {strides = array<i32>} : memref<3x16x16xf32, #tpu.memory_space<vmem>>, vector<1x1x16xf32>,
    %get3A_190 = vector.shape_cast %get3A_189 : vector<1x1x16xf32> to vector<16xf32>
    %get3A_191 = arith.constant 1 : i32
    %get3A_192 = arith.constant 11 : i32
    %get3A_193 = arith.index_cast %get3A_191 : i32 to index
    %get3A_194 = arith.index_cast %get3A_192 : i32 to index
    %get3A_195 = arith.constant 0 : index
    %get3A_196 = tpu.vector_load %arg10[%get3A_193, %get3A_194, %get3A_195] {strides = array<i32>} : memref<3x16x16xf32, #tpu.memory_space<vmem>>, vector<1x1x16xf32>,
    %get3A_197 = vector.shape_cast %get3A_196 : vector<1x1x16xf32> to vector<16xf32>
    %get3A_198 = arith.constant 1 : i32
    %get3A_199 = arith.constant 12 : i32
    %get3A_200 = arith.index_cast %get3A_198 : i32 to index
    %get3A_201 = arith.index_cast %get3A_199 : i32 to index
    %get3A_202 = arith.constant 0 : index
    %get3A_203 = tpu.vector_load %arg10[%get3A_200, %get3A_201, %get3A_202] {strides = array<i32>} : memref<3x16x16xf32, #tpu.memory_space<vmem>>, vector<1x1x16xf32>,
    %get3A_204 = vector.shape_cast %get3A_203 : vector<1x1x16xf32> to vector<16xf32>
    %get3A_205 = arith.constant 1 : i32
    %get3A_206 = arith.constant 13 : i32
    %get3A_207 = arith.index_cast %get3A_205 : i32 to index
    %get3A_208 = arith.index_cast %get3A_206 : i32 to index
    %get3A_209 = arith.constant 0 : index
    %get3A_210 = tpu.vector_load %arg10[%get3A_207, %get3A_208, %get3A_209] {strides = array<i32>} : memref<3x16x16xf32, #tpu.memory_space<vmem>>, vector<1x1x16xf32>,
    %get3A_211 = vector.shape_cast %get3A_210 : vector<1x1x16xf32> to vector<16xf32>
    %get3A_212 = arith.constant 1 : i32
    %get3A_213 = arith.constant 14 : i32
    %get3A_214 = arith.index_cast %get3A_212 : i32 to index
    %get3A_215 = arith.index_cast %get3A_213 : i32 to index
    %get3A_216 = arith.constant 0 : index
    %get3A_217 = tpu.vector_load %arg10[%get3A_214, %get3A_215, %get3A_216] {strides = array<i32>} : memref<3x16x16xf32, #tpu.memory_space<vmem>>, vector<1x1x16xf32>,
    %get3A_218 = vector.shape_cast %get3A_217 : vector<1x1x16xf32> to vector<16xf32>
    %get3A_219 = arith.constant 1 : i32
    %get3A_220 = arith.constant 15 : i32
    %get3A_221 = arith.index_cast %get3A_219 : i32 to index
    %get3A_222 = arith.index_cast %get3A_220 : i32 to index
    %get3A_223 = arith.constant 0 : index
    %get3A_224 = tpu.vector_load %arg10[%get3A_221, %get3A_222, %get3A_223] {strides = array<i32>} : memref<3x16x16xf32, #tpu.memory_space<vmem>>, vector<1x1x16xf32>,
    %get3A_225 = vector.shape_cast %get3A_224 : vector<1x1x16xf32> to vector<16xf32>
    %get3A_226 = arith.constant 2 : i32
    %get3A_227 = arith.constant 0 : i32
    %get3A_228 = arith.index_cast %get3A_226 : i32 to index
    %get3A_229 = arith.index_cast %get3A_227 : i32 to index
    %get3A_230 = arith.constant 0 : index
    %get3A_231 = tpu.vector_load %arg10[%get3A_228, %get3A_229, %get3A_230] {strides = array<i32>} : memref<3x16x16xf32, #tpu.memory_space<vmem>>, vector<1x1x16xf32>,
    %get3A_232 = vector.shape_cast %get3A_231 : vector<1x1x16xf32> to vector<16xf32>
    %get3A_233 = arith.constant 2 : i32
    %get3A_234 = arith.constant 1 : i32
    %get3A_235 = arith.index_cast %get3A_233 : i32 to index
    %get3A_236 = arith.index_cast %get3A_234 : i32 to index
    %get3A_237 = arith.constant 0 : index
    %get3A_238 = tpu.vector_load %arg10[%get3A_235, %get3A_236, %get3A_237] {strides = array<i32>} : memref<3x16x16xf32, #tpu.memory_space<vmem>>, vector<1x1x16xf32>,
    %get3A_239 = vector.shape_cast %get3A_238 : vector<1x1x16xf32> to vector<16xf32>
    %get3A_240 = arith.constant 2 : i32
    %get3A_241 = arith.constant 2 : i32
    %get3A_242 = arith.index_cast %get3A_240 : i32 to index
    %get3A_243 = arith.index_cast %get3A_241 : i32 to index
    %get3A_244 = arith.constant 0 : index
    %get3A_245 = tpu.vector_load %arg10[%get3A_242, %get3A_243, %get3A_244] {strides = array<i32>} : memref<3x16x16xf32, #tpu.memory_space<vmem>>, vector<1x1x16xf32>,
    %get3A_246 = vector.shape_cast %get3A_245 : vector<1x1x16xf32> to vector<16xf32>
    %get3A_247 = arith.constant 2 : i32
    %get3A_248 = arith.constant 3 : i32
    %get3A_249 = arith.index_cast %get3A_247 : i32 to index
    %get3A_250 = arith.index_cast %get3A_248 : i32 to index
    %get3A_251 = arith.constant 0 : index
    %get3A_252 = tpu.vector_load %arg10[%get3A_249, %get3A_250, %get3A_251] {strides = array<i32>} : memref<3x16x16xf32, #tpu.memory_space<vmem>>, vector<1x1x16xf32>,
    %get3A_253 = vector.shape_cast %get3A_252 : vector<1x1x16xf32> to vector<16xf32>
    %get3A_254 = arith.constant 2 : i32
    %get3A_255 = arith.constant 4 : i32
    %get3A_256 = arith.index_cast %get3A_254 : i32 to index
    %get3A_257 = arith.index_cast %get3A_255 : i32 to index
    %get3A_258 = arith.constant 0 : index
    %get3A_259 = tpu.vector_load %arg10[%get3A_256, %get3A_257, %get3A_258] {strides = array<i32>} : memref<3x16x16xf32, #tpu.memory_space<vmem>>, vector<1x1x16xf32>,
    %get3A_260 = vector.shape_cast %get3A_259 : vector<1x1x16xf32> to vector<16xf32>
    %get3A_261 = arith.constant 2 : i32
    %get3A_262 = arith.constant 5 : i32
    %get3A_263 = arith.index_cast %get3A_261 : i32 to index
    %get3A_264 = arith.index_cast %get3A_262 : i32 to index
    %get3A_265 = arith.constant 0 : index
    %get3A_266 = tpu.vector_load %arg10[%get3A_263, %get3A_264, %get3A_265] {strides = array<i32>} : memref<3x16x16xf32, #tpu.memory_space<vmem>>, vector<1x1x16xf32>,
    %get3A_267 = vector.shape_cast %get3A_266 : vector<1x1x16xf32> to vector<16xf32>
    %get3A_268 = arith.constant 2 : i32
    %get3A_269 = arith.constant 6 : i32
    %get3A_270 = arith.index_cast %get3A_268 : i32 to index
    %get3A_271 = arith.index_cast %get3A_269 : i32 to index
    %get3A_272 = arith.constant 0 : index
    %get3A_273 = tpu.vector_load %arg10[%get3A_270, %get3A_271, %get3A_272] {strides = array<i32>} : memref<3x16x16xf32, #tpu.memory_space<vmem>>, vector<1x1x16xf32>,
    %get3A_274 = vector.shape_cast %get3A_273 : vector<1x1x16xf32> to vector<16xf32>
    %get3A_275 = arith.constant 2 : i32
    %get3A_276 = arith.constant 7 : i32
    %get3A_277 = arith.index_cast %get3A_275 : i32 to index
    %get3A_278 = arith.index_cast %get3A_276 : i32 to index
    %get3A_279 = arith.constant 0 : index
    %get3A_280 = tpu.vector_load %arg10[%get3A_277, %get3A_278, %get3A_279] {strides = array<i32>} : memref<3x16x16xf32, #tpu.memory_space<vmem>>, vector<1x1x16xf32>,
    %get3A_281 = vector.shape_cast %get3A_280 : vector<1x1x16xf32> to vector<16xf32>
    %get3A_282 = arith.constant 2 : i32
    %get3A_283 = arith.constant 8 : i32
    %get3A_284 = arith.index_cast %get3A_282 : i32 to index
    %get3A_285 = arith.index_cast %get3A_283 : i32 to index
    %get3A_286 = arith.constant 0 : index
    %get3A_287 = tpu.vector_load %arg10[%get3A_284, %get3A_285, %get3A_286] {strides = array<i32>} : memref<3x16x16xf32, #tpu.memory_space<vmem>>, vector<1x1x16xf32>,
    %get3A_288 = vector.shape_cast %get3A_287 : vector<1x1x16xf32> to vector<16xf32>
    %get3A_289 = arith.constant 2 : i32
    %get3A_290 = arith.constant 9 : i32
    %get3A_291 = arith.index_cast %get3A_289 : i32 to index
    %get3A_292 = arith.index_cast %get3A_290 : i32 to index
    %get3A_293 = arith.constant 0 : index
    %get3A_294 = tpu.vector_load %arg10[%get3A_291, %get3A_292, %get3A_293] {strides = array<i32>} : memref<3x16x16xf32, #tpu.memory_space<vmem>>, vector<1x1x16xf32>,
    %get3A_295 = vector.shape_cast %get3A_294 : vector<1x1x16xf32> to vector<16xf32>
    %get3A_296 = arith.constant 2 : i32
    %get3A_297 = arith.constant 10 : i32
    %get3A_298 = arith.index_cast %get3A_296 : i32 to index
    %get3A_299 = arith.index_cast %get3A_297 : i32 to index
    %get3A_300 = arith.constant 0 : index
    %get3A_301 = tpu.vector_load %arg10[%get3A_298, %get3A_299, %get3A_300] {strides = array<i32>} : memref<3x16x16xf32, #tpu.memory_space<vmem>>, vector<1x1x16xf32>,
    %get3A_302 = vector.shape_cast %get3A_301 : vector<1x1x16xf32> to vector<16xf32>
    %get3A_303 = arith.constant 2 : i32
    %get3A_304 = arith.constant 11 : i32
    %get3A_305 = arith.index_cast %get3A_303 : i32 to index
    %get3A_306 = arith.index_cast %get3A_304 : i32 to index
    %get3A_307 = arith.constant 0 : index
    %get3A_308 = tpu.vector_load %arg10[%get3A_305, %get3A_306, %get3A_307] {strides = array<i32>} : memref<3x16x16xf32, #tpu.memory_space<vmem>>, vector<1x1x16xf32>,
    %get3A_309 = vector.shape_cast %get3A_308 : vector<1x1x16xf32> to vector<16xf32>
    %get3A_310 = arith.constant 2 : i32
    %get3A_311 = arith.constant 12 : i32
    %get3A_312 = arith.index_cast %get3A_310 : i32 to index
    %get3A_313 = arith.index_cast %get3A_311 : i32 to index
    %get3A_314 = arith.constant 0 : index
    %get3A_315 = tpu.vector_load %arg10[%get3A_312, %get3A_313, %get3A_314] {strides = array<i32>} : memref<3x16x16xf32, #tpu.memory_space<vmem>>, vector<1x1x16xf32>,
    %get3A_316 = vector.shape_cast %get3A_315 : vector<1x1x16xf32> to vector<16xf32>
    %get3A_317 = arith.constant 2 : i32
    %get3A_318 = arith.constant 13 : i32
    %get3A_319 = arith.index_cast %get3A_317 : i32 to index
    %get3A_320 = arith.index_cast %get3A_318 : i32 to index
    %get3A_321 = arith.constant 0 : index
    %get3A_322 = tpu.vector_load %arg10[%get3A_319, %get3A_320, %get3A_321] {strides = array<i32>} : memref<3x16x16xf32, #tpu.memory_space<vmem>>, vector<1x1x16xf32>,
    %get3A_323 = vector.shape_cast %get3A_322 : vector<1x1x16xf32> to vector<16xf32>
    %get3A_324 = arith.constant 2 : i32
    %get3A_325 = arith.constant 14 : i32
    %get3A_326 = arith.index_cast %get3A_324 : i32 to index
    %get3A_327 = arith.index_cast %get3A_325 : i32 to index
    %get3A_328 = arith.constant 0 : index
    %get3A_329 = tpu.vector_load %arg10[%get3A_326, %get3A_327, %get3A_328] {strides = array<i32>} : memref<3x16x16xf32, #tpu.memory_space<vmem>>, vector<1x1x16xf32>,
    %get3A_330 = vector.shape_cast %get3A_329 : vector<1x1x16xf32> to vector<16xf32>
    %get3A_331 = arith.constant 2 : i32
    %get3A_332 = arith.constant 15 : i32
    %get3A_333 = arith.index_cast %get3A_331 : i32 to index
    %get3A_334 = arith.index_cast %get3A_332 : i32 to index
    %get3A_335 = arith.constant 0 : index
    %get3A_336 = tpu.vector_load %arg10[%get3A_333, %get3A_334, %get3A_335] {strides = array<i32>} : memref<3x16x16xf32, #tpu.memory_space<vmem>>, vector<1x1x16xf32>,
    %get3A_337 = vector.shape_cast %get3A_336 : vector<1x1x16xf32> to vector<16xf32>
    %scan3A = arith.constant 0 : i32
    %scan3A_338 = arith.constant 0 : i32
    %scan3A_339 = arith.constant 64 : i32
    %scan3A_340 = arith.addi %scan3A_338, %scan3A_339 : i32
    %scan3A_341 = arith.constant 1 : i32
    scf.for %scan3A_343 = %scan3A_338 to %scan3A_340 step %scan3A_341  : i32 {
      %mul3A_344 = arith.constant 16 : i32
      %mul3A_345 = arith.muli %scan3A_343, %mul3A_344 : i32
      %get3A_346 = arith.index_cast %mul3A_345 : i32 to index
      %get3A_347 = tpu.vector_load %arg7[%get3A_346] {strides = array<i32>} : memref<1024xf32, #tpu.memory_space<vmem>>, vector<16xf32>,
      %get3A_348 = vector.shape_cast %get3A_347 : vector<16xf32> to vector<16xf32>
      %mul3A_349 = arith.constant 16 : i32
      %mul3A_350 = arith.muli %scan3A_343, %mul3A_349 : i32
      %get3A_351 = arith.index_cast %mul3A_350 : i32 to index
      %get3A_352 = tpu.vector_load %arg8[%get3A_351] {strides = array<i32>} : memref<1024xf32, #tpu.memory_space<vmem>>, vector<16xf32>,
      %get3A_353 = vector.shape_cast %get3A_352 : vector<16xf32> to vector<16xf32>
      %mul3A_354 = arith.constant 16 : i32
      %mul3A_355 = arith.muli %scan3A_343, %mul3A_354 : i32
      %get3A_356 = arith.index_cast %mul3A_355 : i32 to index
      %get3A_357 = tpu.vector_load %arg9[%get3A_356] {strides = array<i32>} : memref<1024xf32, #tpu.memory_space<vmem>>, vector<16xf32>,
      %get3A_358 = vector.shape_cast %get3A_357 : vector<16xf32> to vector<16xf32>
      %sub3A = arith.subf %get3A_348, %get3A_8 : vector<16xf32>
      %sub3A_359 = arith.subf %get3A_353, %get3A_120 : vector<16xf32>
      %sub3A_360 = arith.subf %get3A_358, %get3A_232 : vector<16xf32>
      %mul3A_361 = arith.mulf %sub3A, %sub3A : vector<16xf32>
      %mul3A_362 = arith.mulf %sub3A_359, %sub3A_359 : vector<16xf32>
      %add3A_363 = arith.addf %mul3A_361, %mul3A_362 : vector<16xf32>
      %mul3A_364 = arith.mulf %sub3A_360, %sub3A_360 : vector<16xf32>
      %add3A_365 = arith.addf %add3A_363, %mul3A_364 : vector<16xf32>
      %broadcast_in_dim3A = arith.constant 0 : i32
      %broadcast_in_dim3A_366 = vector.broadcast %broadcast_in_dim3A : i32 to vector<16xi32>
      %sub3A_367 = arith.subf %get3A_348, %get3A_15 : vector<16xf32>
      %sub3A_368 = arith.subf %get3A_353, %get3A_127 : vector<16xf32>
      %sub3A_369 = arith.subf %get3A_358, %get3A_239 : vector<16xf32>
      %mul3A_370 = arith.mulf %sub3A_367, %sub3A_367 : vector<16xf32>
      %mul3A_371 = arith.mulf %sub3A_368, %sub3A_368 : vector<16xf32>
      %add3A_372 = arith.addf %mul3A_370, %mul3A_371 : vector<16xf32>
      %mul3A_373 = arith.mulf %sub3A_369, %sub3A_369 : vector<16xf32>
      %add3A_374 = arith.addf %add3A_372, %mul3A_373 : vector<16xf32>
      %lt3A = arith.cmpf olt, %add3A_374, %add3A_365 : vector<16xf32>
      %broadcast_in_dim3A_375 = arith.constant 1 : i32
      %broadcast_in_dim3A_376 = vector.broadcast %broadcast_in_dim3A_375 : i32 to vector<16xi32>
      %select_n3A = arith.select %lt3A, %broadcast_in_dim3A_376, %broadcast_in_dim3A_366 : vector<16xi1>, vector<16xi32>
      %select_n3A_377 = arith.select %lt3A, %add3A_374, %add3A_365 : vector<16xi1>, vector<16xf32>
      %sub3A_378 = arith.subf %get3A_348, %get3A_22 : vector<16xf32>
      %sub3A_379 = arith.subf %get3A_353, %get3A_134 : vector<16xf32>
      %sub3A_380 = arith.subf %get3A_358, %get3A_246 : vector<16xf32>
      %mul3A_381 = arith.mulf %sub3A_378, %sub3A_378 : vector<16xf32>
      %mul3A_382 = arith.mulf %sub3A_379, %sub3A_379 : vector<16xf32>
      %add3A_383 = arith.addf %mul3A_381, %mul3A_382 : vector<16xf32>
      %mul3A_384 = arith.mulf %sub3A_380, %sub3A_380 : vector<16xf32>
      %add3A_385 = arith.addf %add3A_383, %mul3A_384 : vector<16xf32>
      %lt3A_386 = arith.cmpf olt, %add3A_385, %select_n3A_377 : vector<16xf32>
      %broadcast_in_dim3A_387 = arith.constant 2 : i32
      %broadcast_in_dim3A_388 = vector.broadcast %broadcast_in_dim3A_387 : i32 to vector<16xi32>
      %select_n3A_389 = arith.select %lt3A_386, %broadcast_in_dim3A_388, %select_n3A : vector<16xi1>, vector<16xi32>
      %select_n3A_390 = arith.select %lt3A_386, %add3A_385, %select_n3A_377 : vector<16xi1>, vector<16xf32>
      %sub3A_391 = arith.subf %get3A_348, %get3A_29 : vector<16xf32>
      %sub3A_392 = arith.subf %get3A_353, %get3A_141 : vector<16xf32>
      %sub3A_393 = arith.subf %get3A_358, %get3A_253 : vector<16xf32>
      %mul3A_394 = arith.mulf %sub3A_391, %sub3A_391 : vector<16xf32>
      %mul3A_395 = arith.mulf %sub3A_392, %sub3A_392 : vector<16xf32>
      %add3A_396 = arith.addf %mul3A_394, %mul3A_395 : vector<16xf32>
      %mul3A_397 = arith.mulf %sub3A_393, %sub3A_393 : vector<16xf32>
      %add3A_398 = arith.addf %add3A_396, %mul3A_397 : vector<16xf32>
      %lt3A_399 = arith.cmpf olt, %add3A_398, %select_n3A_390 : vector<16xf32>
      %broadcast_in_dim3A_400 = arith.constant 3 : i32
      %broadcast_in_dim3A_401 = vector.broadcast %broadcast_in_dim3A_400 : i32 to vector<16xi32>
      %select_n3A_402 = arith.select %lt3A_399, %broadcast_in_dim3A_401, %select_n3A_389 : vector<16xi1>, vector<16xi32>
      %select_n3A_403 = arith.select %lt3A_399, %add3A_398, %select_n3A_390 : vector<16xi1>, vector<16xf32>
      %sub3A_404 = arith.subf %get3A_348, %get3A_36 : vector<16xf32>
      %sub3A_405 = arith.subf %get3A_353, %get3A_148 : vector<16xf32>
      %sub3A_406 = arith.subf %get3A_358, %get3A_260 : vector<16xf32>
      %mul3A_407 = arith.mulf %sub3A_404, %sub3A_404 : vector<16xf32>
      %mul3A_408 = arith.mulf %sub3A_405, %sub3A_405 : vector<16xf32>
      %add3A_409 = arith.addf %mul3A_407, %mul3A_408 : vector<16xf32>
      %mul3A_410 = arith.mulf %sub3A_406, %sub3A_406 : vector<16xf32>
      %add3A_411 = arith.addf %add3A_409, %mul3A_410 : vector<16xf32>
      %lt3A_412 = arith.cmpf olt, %add3A_411, %select_n3A_403 : vector<16xf32>
      %broadcast_in_dim3A_413 = arith.constant 4 : i32
      %broadcast_in_dim3A_414 = vector.broadcast %broadcast_in_dim3A_413 : i32 to vector<16xi32>
      %select_n3A_415 = arith.select %lt3A_412, %broadcast_in_dim3A_414, %select_n3A_402 : vector<16xi1>, vector<16xi32>
      %select_n3A_416 = arith.select %lt3A_412, %add3A_411, %select_n3A_403 : vector<16xi1>, vector<16xf32>
      %sub3A_417 = arith.subf %get3A_348, %get3A_43 : vector<16xf32>
      %sub3A_418 = arith.subf %get3A_353, %get3A_155 : vector<16xf32>
      %sub3A_419 = arith.subf %get3A_358, %get3A_267 : vector<16xf32>
      %mul3A_420 = arith.mulf %sub3A_417, %sub3A_417 : vector<16xf32>
      %mul3A_421 = arith.mulf %sub3A_418, %sub3A_418 : vector<16xf32>
      %add3A_422 = arith.addf %mul3A_420, %mul3A_421 : vector<16xf32>
      %mul3A_423 = arith.mulf %sub3A_419, %sub3A_419 : vector<16xf32>
      %add3A_424 = arith.addf %add3A_422, %mul3A_423 : vector<16xf32>
      %lt3A_425 = arith.cmpf olt, %add3A_424, %select_n3A_416 : vector<16xf32>
      %broadcast_in_dim3A_426 = arith.constant 5 : i32
      %broadcast_in_dim3A_427 = vector.broadcast %broadcast_in_dim3A_426 : i32 to vector<16xi32>
      %select_n3A_428 = arith.select %lt3A_425, %broadcast_in_dim3A_427, %select_n3A_415 : vector<16xi1>, vector<16xi32>
      %select_n3A_429 = arith.select %lt3A_425, %add3A_424, %select_n3A_416 : vector<16xi1>, vector<16xf32>
      %sub3A_430 = arith.subf %get3A_348, %get3A_50 : vector<16xf32>
      %sub3A_431 = arith.subf %get3A_353, %get3A_162 : vector<16xf32>
      %sub3A_432 = arith.subf %get3A_358, %get3A_274 : vector<16xf32>
      %mul3A_433 = arith.mulf %sub3A_430, %sub3A_430 : vector<16xf32>
      %mul3A_434 = arith.mulf %sub3A_431, %sub3A_431 : vector<16xf32>
      %add3A_435 = arith.addf %mul3A_433, %mul3A_434 : vector<16xf32>
      %mul3A_436 = arith.mulf %sub3A_432, %sub3A_432 : vector<16xf32>
      %add3A_437 = arith.addf %add3A_435, %mul3A_436 : vector<16xf32>
      %lt3A_438 = arith.cmpf olt, %add3A_437, %select_n3A_429 : vector<16xf32>
      %broadcast_in_dim3A_439 = arith.constant 6 : i32
      %broadcast_in_dim3A_440 = vector.broadcast %broadcast_in_dim3A_439 : i32 to vector<16xi32>
      %select_n3A_441 = arith.select %lt3A_438, %broadcast_in_dim3A_440, %select_n3A_428 : vector<16xi1>, vector<16xi32>
      %select_n3A_442 = arith.select %lt3A_438, %add3A_437, %select_n3A_429 : vector<16xi1>, vector<16xf32>
      %sub3A_443 = arith.subf %get3A_348, %get3A_57 : vector<16xf32>
      %sub3A_444 = arith.subf %get3A_353, %get3A_169 : vector<16xf32>
      %sub3A_445 = arith.subf %get3A_358, %get3A_281 : vector<16xf32>
      %mul3A_446 = arith.mulf %sub3A_443, %sub3A_443 : vector<16xf32>
      %mul3A_447 = arith.mulf %sub3A_444, %sub3A_444 : vector<16xf32>
      %add3A_448 = arith.addf %mul3A_446, %mul3A_447 : vector<16xf32>
      %mul3A_449 = arith.mulf %sub3A_445, %sub3A_445 : vector<16xf32>
      %add3A_450 = arith.addf %add3A_448, %mul3A_449 : vector<16xf32>
      %lt3A_451 = arith.cmpf olt, %add3A_450, %select_n3A_442 : vector<16xf32>
      %broadcast_in_dim3A_452 = arith.constant 7 : i32
      %broadcast_in_dim3A_453 = vector.broadcast %broadcast_in_dim3A_452 : i32 to vector<16xi32>
      %select_n3A_454 = arith.select %lt3A_451, %broadcast_in_dim3A_453, %select_n3A_441 : vector<16xi1>, vector<16xi32>
      %select_n3A_455 = arith.select %lt3A_451, %add3A_450, %select_n3A_442 : vector<16xi1>, vector<16xf32>
      %sub3A_456 = arith.subf %get3A_348, %get3A_64 : vector<16xf32>
      %sub3A_457 = arith.subf %get3A_353, %get3A_176 : vector<16xf32>
      %sub3A_458 = arith.subf %get3A_358, %get3A_288 : vector<16xf32>
      %mul3A_459 = arith.mulf %sub3A_456, %sub3A_456 : vector<16xf32>
      %mul3A_460 = arith.mulf %sub3A_457, %sub3A_457 : vector<16xf32>
      %add3A_461 = arith.addf %mul3A_459, %mul3A_460 : vector<16xf32>
      %mul3A_462 = arith.mulf %sub3A_458, %sub3A_458 : vector<16xf32>
      %add3A_463 = arith.addf %add3A_461, %mul3A_462 : vector<16xf32>
      %lt3A_464 = arith.cmpf olt, %add3A_463, %select_n3A_455 : vector<16xf32>
      %broadcast_in_dim3A_465 = arith.constant 8 : i32
      %broadcast_in_dim3A_466 = vector.broadcast %broadcast_in_dim3A_465 : i32 to vector<16xi32>
      %select_n3A_467 = arith.select %lt3A_464, %broadcast_in_dim3A_466, %select_n3A_454 : vector<16xi1>, vector<16xi32>
      %select_n3A_468 = arith.select %lt3A_464, %add3A_463, %select_n3A_455 : vector<16xi1>, vector<16xf32>
      %sub3A_469 = arith.subf %get3A_348, %get3A_71 : vector<16xf32>
      %sub3A_470 = arith.subf %get3A_353, %get3A_183 : vector<16xf32>
      %sub3A_471 = arith.subf %get3A_358, %get3A_295 : vector<16xf32>
      %mul3A_472 = arith.mulf %sub3A_469, %sub3A_469 : vector<16xf32>
      %mul3A_473 = arith.mulf %sub3A_470, %sub3A_470 : vector<16xf32>
      %add3A_474 = arith.addf %mul3A_472, %mul3A_473 : vector<16xf32>
      %mul3A_475 = arith.mulf %sub3A_471, %sub3A_471 : vector<16xf32>
      %add3A_476 = arith.addf %add3A_474, %mul3A_475 : vector<16xf32>
      %lt3A_477 = arith.cmpf olt, %add3A_476, %select_n3A_468 : vector<16xf32>
      %broadcast_in_dim3A_478 = arith.constant 9 : i32
      %broadcast_in_dim3A_479 = vector.broadcast %broadcast_in_dim3A_478 : i32 to vector<16xi32>
      %select_n3A_480 = arith.select %lt3A_477, %broadcast_in_dim3A_479, %select_n3A_467 : vector<16xi1>, vector<16xi32>
      %select_n3A_481 = arith.select %lt3A_477, %add3A_476, %select_n3A_468 : vector<16xi1>, vector<16xf32>
      %sub3A_482 = arith.subf %get3A_348, %get3A_78 : vector<16xf32>
      %sub3A_483 = arith.subf %get3A_353, %get3A_190 : vector<16xf32>
      %sub3A_484 = arith.subf %get3A_358, %get3A_302 : vector<16xf32>
      %mul3A_485 = arith.mulf %sub3A_482, %sub3A_482 : vector<16xf32>
      %mul3A_486 = arith.mulf %sub3A_483, %sub3A_483 : vector<16xf32>
      %add3A_487 = arith.addf %mul3A_485, %mul3A_486 : vector<16xf32>
      %mul3A_488 = arith.mulf %sub3A_484, %sub3A_484 : vector<16xf32>
      %add3A_489 = arith.addf %add3A_487, %mul3A_488 : vector<16xf32>
      %lt3A_490 = arith.cmpf olt, %add3A_489, %select_n3A_481 : vector<16xf32>
      %broadcast_in_dim3A_491 = arith.constant 10 : i32
      %broadcast_in_dim3A_492 = vector.broadcast %broadcast_in_dim3A_491 : i32 to vector<16xi32>
      %select_n3A_493 = arith.select %lt3A_490, %broadcast_in_dim3A_492, %select_n3A_480 : vector<16xi1>, vector<16xi32>
      %select_n3A_494 = arith.select %lt3A_490, %add3A_489, %select_n3A_481 : vector<16xi1>, vector<16xf32>
      %sub3A_495 = arith.subf %get3A_348, %get3A_85 : vector<16xf32>
      %sub3A_496 = arith.subf %get3A_353, %get3A_197 : vector<16xf32>
      %sub3A_497 = arith.subf %get3A_358, %get3A_309 : vector<16xf32>
      %mul3A_498 = arith.mulf %sub3A_495, %sub3A_495 : vector<16xf32>
      %mul3A_499 = arith.mulf %sub3A_496, %sub3A_496 : vector<16xf32>
      %add3A_500 = arith.addf %mul3A_498, %mul3A_499 : vector<16xf32>
      %mul3A_501 = arith.mulf %sub3A_497, %sub3A_497 : vector<16xf32>
      %add3A_502 = arith.addf %add3A_500, %mul3A_501 : vector<16xf32>
      %lt3A_503 = arith.cmpf olt, %add3A_502, %select_n3A_494 : vector<16xf32>
      %broadcast_in_dim3A_504 = arith.constant 11 : i32
      %broadcast_in_dim3A_505 = vector.broadcast %broadcast_in_dim3A_504 : i32 to vector<16xi32>
      %select_n3A_506 = arith.select %lt3A_503, %broadcast_in_dim3A_505, %select_n3A_493 : vector<16xi1>, vector<16xi32>
      %select_n3A_507 = arith.select %lt3A_503, %add3A_502, %select_n3A_494 : vector<16xi1>, vector<16xf32>
      %sub3A_508 = arith.subf %get3A_348, %get3A_92 : vector<16xf32>
      %sub3A_509 = arith.subf %get3A_353, %get3A_204 : vector<16xf32>
      %sub3A_510 = arith.subf %get3A_358, %get3A_316 : vector<16xf32>
      %mul3A_511 = arith.mulf %sub3A_508, %sub3A_508 : vector<16xf32>
      %mul3A_512 = arith.mulf %sub3A_509, %sub3A_509 : vector<16xf32>
      %add3A_513 = arith.addf %mul3A_511, %mul3A_512 : vector<16xf32>
      %mul3A_514 = arith.mulf %sub3A_510, %sub3A_510 : vector<16xf32>
      %add3A_515 = arith.addf %add3A_513, %mul3A_514 : vector<16xf32>
      %lt3A_516 = arith.cmpf olt, %add3A_515, %select_n3A_507 : vector<16xf32>
      %broadcast_in_dim3A_517 = arith.constant 12 : i32
      %broadcast_in_dim3A_518 = vector.broadcast %broadcast_in_dim3A_517 : i32 to vector<16xi32>
      %select_n3A_519 = arith.select %lt3A_516, %broadcast_in_dim3A_518, %select_n3A_506 : vector<16xi1>, vector<16xi32>
      %select_n3A_520 = arith.select %lt3A_516, %add3A_515, %select_n3A_507 : vector<16xi1>, vector<16xf32>
      %sub3A_521 = arith.subf %get3A_348, %get3A_99 : vector<16xf32>
      %sub3A_522 = arith.subf %get3A_353, %get3A_211 : vector<16xf32>
      %sub3A_523 = arith.subf %get3A_358, %get3A_323 : vector<16xf32>
      %mul3A_524 = arith.mulf %sub3A_521, %sub3A_521 : vector<16xf32>
      %mul3A_525 = arith.mulf %sub3A_522, %sub3A_522 : vector<16xf32>
      %add3A_526 = arith.addf %mul3A_524, %mul3A_525 : vector<16xf32>
      %mul3A_527 = arith.mulf %sub3A_523, %sub3A_523 : vector<16xf32>
      %add3A_528 = arith.addf %add3A_526, %mul3A_527 : vector<16xf32>
      %lt3A_529 = arith.cmpf olt, %add3A_528, %select_n3A_520 : vector<16xf32>
      %broadcast_in_dim3A_530 = arith.constant 13 : i32
      %broadcast_in_dim3A_531 = vector.broadcast %broadcast_in_dim3A_530 : i32 to vector<16xi32>
      %select_n3A_532 = arith.select %lt3A_529, %broadcast_in_dim3A_531, %select_n3A_519 : vector<16xi1>, vector<16xi32>
      %select_n3A_533 = arith.select %lt3A_529, %add3A_528, %select_n3A_520 : vector<16xi1>, vector<16xf32>
      %sub3A_534 = arith.subf %get3A_348, %get3A_106 : vector<16xf32>
      %sub3A_535 = arith.subf %get3A_353, %get3A_218 : vector<16xf32>
      %sub3A_536 = arith.subf %get3A_358, %get3A_330 : vector<16xf32>
      %mul3A_537 = arith.mulf %sub3A_534, %sub3A_534 : vector<16xf32>
      %mul3A_538 = arith.mulf %sub3A_535, %sub3A_535 : vector<16xf32>
      %add3A_539 = arith.addf %mul3A_537, %mul3A_538 : vector<16xf32>
      %mul3A_540 = arith.mulf %sub3A_536, %sub3A_536 : vector<16xf32>
      %add3A_541 = arith.addf %add3A_539, %mul3A_540 : vector<16xf32>
      %lt3A_542 = arith.cmpf olt, %add3A_541, %select_n3A_533 : vector<16xf32>
      %broadcast_in_dim3A_543 = arith.constant 14 : i32
      %broadcast_in_dim3A_544 = vector.broadcast %broadcast_in_dim3A_543 : i32 to vector<16xi32>
      %select_n3A_545 = arith.select %lt3A_542, %broadcast_in_dim3A_544, %select_n3A_532 : vector<16xi1>, vector<16xi32>
      %select_n3A_546 = arith.select %lt3A_542, %add3A_541, %select_n3A_533 : vector<16xi1>, vector<16xf32>
      %sub3A_547 = arith.subf %get3A_348, %get3A_113 : vector<16xf32>
      %sub3A_548 = arith.subf %get3A_353, %get3A_225 : vector<16xf32>
      %sub3A_549 = arith.subf %get3A_358, %get3A_337 : vector<16xf32>
      %mul3A_550 = arith.mulf %sub3A_547, %sub3A_547 : vector<16xf32>
      %mul3A_551 = arith.mulf %sub3A_548, %sub3A_548 : vector<16xf32>
      %add3A_552 = arith.addf %mul3A_550, %mul3A_551 : vector<16xf32>
      %mul3A_553 = arith.mulf %sub3A_549, %sub3A_549 : vector<16xf32>
      %add3A_554 = arith.addf %add3A_552, %mul3A_553 : vector<16xf32>
      %lt3A_555 = arith.cmpf olt, %add3A_554, %select_n3A_546 : vector<16xf32>
      %broadcast_in_dim3A_556 = arith.constant 15 : i32
      %broadcast_in_dim3A_557 = vector.broadcast %broadcast_in_dim3A_556 : i32 to vector<16xi32>
      %select_n3A_558 = arith.select %lt3A_555, %broadcast_in_dim3A_557, %select_n3A_545 : vector<16xi1>, vector<16xi32>
      %select_n3A_559 = arith.select %lt3A_555, %add3A_554, %select_n3A_546 : vector<16xi1>, vector<16xf32>
      %mul3A_560 = arith.constant 16 : i32
      %mul3A_561 = arith.muli %scan3A_343, %mul3A_560 : i32
      %swap3A = arith.index_cast %mul3A_561 : i32 to index
      %swap3A_562 = tpu.vector_load %arg11[%swap3A] {strides = array<i32>} : memref<1024xi32, #tpu.memory_space<vmem>>, vector<16xi32>,
      %swap3A_563 = vector.shape_cast %swap3A_562 : vector<16xi32> to vector<16xi32>
      %swap3A_564 = vector.shape_cast %select_n3A_558 : vector<16xi32> to vector<16xi32>
      tpu.vector_store %arg11[%swap3A], %swap3A_564 {strides = array<i32>} : memref<1024xi32, #tpu.memory_space<vmem>>, vector<16xi32>,
    }
    %scan3A_342 = arith.constant 64 : i32
    "tpu.region"() ({
      %run_scoped3A = tpu.sem_alloc : memref<!tpu.dma_semaphore, #tpu.memory_space<semaphore_mem>>
      %dma_start3A = tpu.memref_slice %arg6[%mul3A_2] : memref<32768xi32, #tpu.memory_space<hbm>> -> memref<1024xi32, #tpu.memory_space<hbm>>
      %dma_start3A_343 = tpu.memref_slice %arg6[%mul3A_2] : memref<32768xi32, #tpu.memory_space<hbm>> -> memref<1024xi32, #tpu.memory_space<hbm>>
      tpu.enqueue_dma source(%arg11 : memref<1024xi32, #tpu.memory_space<vmem>>) target(%dma_start3A_343 : memref<1024xi32, #tpu.memory_space<hbm>>) target_semaphore(%run_scoped3A : memref<!tpu.dma_semaphore, #tpu.memory_space<semaphore_mem>>)
      %dma_wait3A = tpu.memref_slice %arg6[%mul3A_2] : memref<32768xi32, #tpu.memory_space<hbm>> -> memref<1024xi32, #tpu.memory_space<hbm>>
      %dma_wait3A_344 = tpu.memref_slice %arg6[%mul3A_2] : memref<32768xi32, #tpu.memory_space<hbm>> -> memref<1024xi32, #tpu.memory_space<hbm>>
      tpu.wait_dma2 semaphore(%run_scoped3A : memref<!tpu.dma_semaphore, #tpu.memory_space<semaphore_mem>>) src(%arg11 : memref<1024xi32, #tpu.memory_space<vmem>>) dst(%dma_wait3A_344 : memref<1024xi32, #tpu.memory_space<hbm>>)
      tpu.yield
    }) : () -> ()
    return
  }
}

module attributes {stable_mosaic.version = 14 : i64} {
  func.func @_moe_body(%arg0: i32, %arg1: memref<2048x1xi32, #tpu.memory_space<vmem>>, %arg2: memref<2048x3xf32, #tpu.memory_space<vmem>>, %arg3: memref<2048x32xf32, #tpu.memory_space<vmem>>, %arg4: memref<35x1024xf32, #tpu.memory_space<vmem>>, %arg5: memref<1x1024xf32, #tpu.memory_space<vmem>>, %arg6: memref<1024x64xf32, #tpu.memory_space<vmem>>, %arg7: memref<128x64xf32, #tpu.memory_space<vmem>>, %arg8: memref<64x128xf32, #tpu.memory_space<vmem>>, %arg9: memref<1x128xf32, #tpu.memory_space<vmem>>, %arg10: memref<2048x3xf32, #tpu.memory_space<vmem>>) attributes {dimension_semantics = [#tpu.dimension_semantics<arbitrary>], iteration_bounds = array<i64: 16>, scalar_prefetch = 0 : i64, scratch_operands = 0 : i64, tpu.core_type = #tpu.core_type<tc>, window_params = [{transform_indices = @transform_0, window_bounds = array<i64: 2048, 1>}, {transform_indices = @transform_1, window_bounds = array<i64: 2048, 3>}, {transform_indices = @transform_2, window_bounds = array<i64: 2048, 32>}, {pipeline_mode = #tpu.pipeline_mode<synchronous>, transform_indices = @transform_3, window_bounds = array<i64: 35, 1024>}, {pipeline_mode = #tpu.pipeline_mode<synchronous>, transform_indices = @transform_4, window_bounds = array<i64: 1, 1024>}, {pipeline_mode = #tpu.pipeline_mode<synchronous>, transform_indices = @transform_5, window_bounds = array<i64: 1024, 64>}, {pipeline_mode = #tpu.pipeline_mode<synchronous>, transform_indices = @transform_6, window_bounds = array<i64: 128, 64>}, {pipeline_mode = #tpu.pipeline_mode<synchronous>, transform_indices = @transform_7, window_bounds = array<i64: 64, 128>}, {pipeline_mode = #tpu.pipeline_mode<synchronous>, transform_indices = @transform_8, window_bounds = array<i64: 1, 128>}, {transform_indices = @transform_9, window_bounds = array<i64: 2048, 3>}]} {
    %get3A = arith.constant 0 : index
    %get3A_0 = arith.constant 0 : index
    %get3A_1 = vector.load %arg2[%get3A, %get3A_0] : memref<2048x3xf32, #tpu.memory_space<vmem>>, vector<2048x3xf32>
    %get3A_2 = arith.constant 0 : index
    %get3A_3 = arith.constant 0 : index
    %get3A_4 = vector.load %arg3[%get3A_2, %get3A_3] : memref<2048x32xf32, #tpu.memory_space<vmem>>, vector<2048x32xf32>
    %concatenate3A = tpu.concatenate %get3A_1, %get3A_4 in 1 : vector<2048x3xf32>, vector<2048x32xf32> -> vector<2048x35xf32>
    %get3A_5 = arith.constant 0 : index
    %get3A_6 = arith.constant 0 : index
    %get3A_7 = vector.load %arg1[%get3A_5, %get3A_6] : memref<2048x1xi32, #tpu.memory_space<vmem>>, vector<2048x1xi32>
    %iota3A = tpu.iota {dimensions = array<i32: 1>} : vector<2048x128xi32>
    %eq3A = vector.broadcast %get3A_7 : vector<2048x1xi32> to vector<2048x128xi32>
    %eq3A_8 = arith.cmpi eq, %iota3A, %eq3A : vector<2048x128xi32>
    %convert_element_type3A = arith.extui %eq3A_8 : vector<2048x128xi1> to vector<2048x128xi32>
    %convert_element_type3A_9 = arith.sitofp %convert_element_type3A : vector<2048x128xi32> to vector<2048x128xf32>
    %iota3A_10 = tpu.iota {dimensions = array<i32: 1>} : vector<2048x1024xi32>
    %jit3A = arith.constant 64 : i32
    %div3A = vector.broadcast %jit3A : i32 to vector<2048x1024xi32>
    %div3A_11 = arith.divsi %iota3A_10, %div3A : vector<2048x1024xi32>
    %sign3A = arith.constant 0 : i32
    %sign3A_12 = vector.broadcast %sign3A : i32 to vector<2048x1024xi32>
    %sign3A_13 = arith.cmpi sgt, %iota3A_10, %sign3A_12 : vector<2048x1024xi32>
    %sign3A_14 = arith.extui %sign3A_13 : vector<2048x1024xi1> to vector<2048x1024xi32>
    %sign3A_15 = arith.constant 0 : i32
    %sign3A_16 = vector.broadcast %sign3A_15 : i32 to vector<2048x1024xi32>
    %sign3A_17 = arith.cmpi slt, %iota3A_10, %sign3A_16 : vector<2048x1024xi32>
    %sign3A_18 = arith.extui %sign3A_17 : vector<2048x1024xi1> to vector<2048x1024xi32>
    %sign3A_19 = arith.subi %sign3A_14, %sign3A_18 : vector<2048x1024xi32>
    %sign3A_20 = arith.constant 0 : i32
    %sign3A_21 = arith.cmpi sgt, %jit3A, %sign3A_20 : i32
    %sign3A_22 = arith.extui %sign3A_21 : i1 to i32
    %sign3A_23 = arith.constant 0 : i32
    %sign3A_24 = arith.cmpi slt, %jit3A, %sign3A_23 : i32
    %sign3A_25 = arith.extui %sign3A_24 : i1 to i32
    %sign3A_26 = arith.subi %sign3A_22, %sign3A_25 : i32
    %ne3A = vector.broadcast %sign3A_26 : i32 to vector<2048x1024xi32>
    %ne3A_27 = arith.cmpi ne, %sign3A_19, %ne3A : vector<2048x1024xi32>
    %rem3A = vector.broadcast %jit3A : i32 to vector<2048x1024xi32>
    %rem3A_28 = arith.remsi %iota3A_10, %rem3A : vector<2048x1024xi32>
    %ne3A_29 = arith.constant 0 : i32
    %ne3A_30 = vector.broadcast %ne3A_29 : i32 to vector<2048x1024xi32>
    %ne3A_31 = arith.cmpi ne, %rem3A_28, %ne3A_30 : vector<2048x1024xi32>
    %and3A = arith.andi %ne3A_27, %ne3A_31 : vector<2048x1024xi1>
    %sub3A = arith.constant 1 : i32
    %sub3A_32 = vector.broadcast %sub3A : i32 to vector<2048x1024xi32>
    %sub3A_33 = arith.subi %div3A_11, %sub3A_32 : vector<2048x1024xi32>
    %select_n3A = arith.select %and3A, %sub3A_33, %div3A_11 : vector<2048x1024xi1>, vector<2048x1024xi32>
    %eq3A_34 = vector.broadcast %get3A_7 : vector<2048x1xi32> to vector<2048x1024xi32>
    %eq3A_35 = arith.cmpi eq, %select_n3A, %eq3A_34 : vector<2048x1024xi32>
    %convert_element_type3A_36 = arith.extui %eq3A_35 : vector<2048x1024xi1> to vector<2048x1024xi32>
    %convert_element_type3A_37 = arith.sitofp %convert_element_type3A_36 : vector<2048x1024xi32> to vector<2048x1024xf32>
    %get3A_38 = arith.constant 0 : index
    %get3A_39 = arith.constant 0 : index
    %get3A_40 = vector.load %arg4[%get3A_38, %get3A_39] : memref<35x1024xf32, #tpu.memory_space<vmem>>, vector<35x1024xf32>
    %dot_general3A = arith.constant dense<0.000000e+00> : vector<2048x1024xf32>
    %dot_general3A_41 = tpu.matmul %concatenate3A, %get3A_40, %dot_general3A {dimension_numbers = #tpu.dot_dimension_numbers<[1], [0], [0], [1], [0, 0, 1, 1], [], []>, transpose_lhs_hint = false} : vector<2048x35xf32>, vector<35x1024xf32>, vector<2048x1024xf32> -> vector<2048x1024xf32>
    %get3A_42 = arith.constant 0 : index
    %get3A_43 = arith.constant 0 : index
    %get3A_44 = vector.load %arg5[%get3A_42, %get3A_43] : memref<1x1024xf32, #tpu.memory_space<vmem>>, vector<1x1024xf32>
    %add3A = vector.broadcast %get3A_44 : vector<1x1024xf32> to vector<2048x1024xf32>
    %add3A_45 = arith.addf %dot_general3A_41, %add3A : vector<2048x1024xf32>
    %max3A = arith.constant 0.000000e+00 : f32
    %max3A_46 = vector.broadcast %max3A : f32 to vector<2048x1024xf32>
    %max3A_47 = arith.maximumf %add3A_45, %max3A_46 : vector<2048x1024xf32>
    %mul3A = arith.mulf %max3A_47, %convert_element_type3A_37 : vector<2048x1024xf32>
    %get3A_48 = arith.constant 0 : index
    %get3A_49 = arith.constant 0 : index
    %get3A_50 = vector.load %arg6[%get3A_48, %get3A_49] : memref<1024x64xf32, #tpu.memory_space<vmem>>, vector<1024x64xf32>
    %dot_general3A_51 = arith.constant dense<0.000000e+00> : vector<2048x64xf32>
    %dot_general3A_52 = tpu.matmul %mul3A, %get3A_50, %dot_general3A_51 {dimension_numbers = #tpu.dot_dimension_numbers<[1], [0], [0], [1], [0, 0, 1, 1], [], []>, transpose_lhs_hint = false} : vector<2048x1024xf32>, vector<1024x64xf32>, vector<2048x64xf32> -> vector<2048x64xf32>
    %get3A_53 = arith.constant 0 : index
    %get3A_54 = arith.constant 0 : index
    %get3A_55 = vector.load %arg7[%get3A_53, %get3A_54] : memref<128x64xf32, #tpu.memory_space<vmem>>, vector<128x64xf32>
    %dot_general3A_56 = arith.constant dense<0.000000e+00> : vector<2048x64xf32>
    %dot_general3A_57 = tpu.matmul %convert_element_type3A_9, %get3A_55, %dot_general3A_56 {dimension_numbers = #tpu.dot_dimension_numbers<[1], [0], [0], [1], [0, 0, 1, 1], [], []>, transpose_lhs_hint = false} : vector<2048x128xf32>, vector<128x64xf32>, vector<2048x64xf32> -> vector<2048x64xf32>
    %add3A_58 = arith.addf %dot_general3A_52, %dot_general3A_57 : vector<2048x64xf32>
    %max3A_59 = arith.constant 0.000000e+00 : f32
    %max3A_60 = vector.broadcast %max3A_59 : f32 to vector<2048x64xf32>
    %max3A_61 = arith.maximumf %add3A_58, %max3A_60 : vector<2048x64xf32>
    %get3A_62 = arith.constant 0 : index
    %get3A_63 = arith.constant 0 : index
    %get3A_64 = vector.load %arg8[%get3A_62, %get3A_63] : memref<64x128xf32, #tpu.memory_space<vmem>>, vector<64x128xf32>
    %dot_general3A_65 = arith.constant dense<0.000000e+00> : vector<2048x128xf32>
    %dot_general3A_66 = tpu.matmul %max3A_61, %get3A_64, %dot_general3A_65 {dimension_numbers = #tpu.dot_dimension_numbers<[1], [0], [0], [1], [0, 0, 1, 1], [], []>, transpose_lhs_hint = false} : vector<2048x64xf32>, vector<64x128xf32>, vector<2048x128xf32> -> vector<2048x128xf32>
    %get3A_67 = arith.constant 0 : index
    %get3A_68 = arith.constant 0 : index
    %get3A_69 = vector.load %arg9[%get3A_67, %get3A_68] : memref<1x128xf32, #tpu.memory_space<vmem>>, vector<1x128xf32>
    %add3A_70 = vector.broadcast %get3A_69 : vector<1x128xf32> to vector<2048x128xf32>
    %add3A_71 = arith.addf %dot_general3A_66, %add3A_70 : vector<2048x128xf32>
    %jit3A_72 = arith.constant 8 : i32
    %div3A_73 = vector.broadcast %jit3A_72 : i32 to vector<2048x128xi32>
    %div3A_74 = arith.divsi %iota3A, %div3A_73 : vector<2048x128xi32>
    %sign3A_75 = arith.constant 0 : i32
    %sign3A_76 = vector.broadcast %sign3A_75 : i32 to vector<2048x128xi32>
    %sign3A_77 = arith.cmpi sgt, %iota3A, %sign3A_76 : vector<2048x128xi32>
    %sign3A_78 = arith.extui %sign3A_77 : vector<2048x128xi1> to vector<2048x128xi32>
    %sign3A_79 = arith.constant 0 : i32
    %sign3A_80 = vector.broadcast %sign3A_79 : i32 to vector<2048x128xi32>
    %sign3A_81 = arith.cmpi slt, %iota3A, %sign3A_80 : vector<2048x128xi32>
    %sign3A_82 = arith.extui %sign3A_81 : vector<2048x128xi1> to vector<2048x128xi32>
    %sign3A_83 = arith.subi %sign3A_78, %sign3A_82 : vector<2048x128xi32>
    %sign3A_84 = arith.constant 0 : i32
    %sign3A_85 = arith.cmpi sgt, %jit3A_72, %sign3A_84 : i32
    %sign3A_86 = arith.extui %sign3A_85 : i1 to i32
    %sign3A_87 = arith.constant 0 : i32
    %sign3A_88 = arith.cmpi slt, %jit3A_72, %sign3A_87 : i32
    %sign3A_89 = arith.extui %sign3A_88 : i1 to i32
    %sign3A_90 = arith.subi %sign3A_86, %sign3A_89 : i32
    %ne3A_91 = vector.broadcast %sign3A_90 : i32 to vector<2048x128xi32>
    %ne3A_92 = arith.cmpi ne, %sign3A_83, %ne3A_91 : vector<2048x128xi32>
    %rem3A_93 = vector.broadcast %jit3A_72 : i32 to vector<2048x128xi32>
    %rem3A_94 = arith.remsi %iota3A, %rem3A_93 : vector<2048x128xi32>
    %ne3A_95 = arith.constant 0 : i32
    %ne3A_96 = vector.broadcast %ne3A_95 : i32 to vector<2048x128xi32>
    %ne3A_97 = arith.cmpi ne, %rem3A_94, %ne3A_96 : vector<2048x128xi32>
    %and3A_98 = arith.andi %ne3A_92, %ne3A_97 : vector<2048x128xi1>
    %sub3A_99 = arith.constant 1 : i32
    %sub3A_100 = vector.broadcast %sub3A_99 : i32 to vector<2048x128xi32>
    %sub3A_101 = arith.subi %div3A_74, %sub3A_100 : vector<2048x128xi32>
    %select_n3A_102 = arith.select %and3A_98, %sub3A_101, %div3A_74 : vector<2048x128xi1>, vector<2048x128xi32>
    %eq3A_103 = vector.broadcast %get3A_7 : vector<2048x1xi32> to vector<2048x128xi32>
    %eq3A_104 = arith.cmpi eq, %select_n3A_102, %eq3A_103 : vector<2048x128xi32>
    %convert_element_type3A_105 = arith.extui %eq3A_104 : vector<2048x128xi1> to vector<2048x128xi32>
    %convert_element_type3A_106 = arith.sitofp %convert_element_type3A_105 : vector<2048x128xi32> to vector<2048x128xf32>
    %mul3A_107 = arith.mulf %add3A_71, %convert_element_type3A_106 : vector<2048x128xf32>
    %slice3A = vector.extract_strided_slice %mul3A_107 {offsets = [0, 0], sizes = [2048, 64], strides = [1, 1]} : vector<2048x128xf32> to vector<2048x64xf32>
    %slice3A_108 = vector.extract_strided_slice %mul3A_107 {offsets = [0, 64], sizes = [2048, 64], strides = [1, 1]} : vector<2048x128xf32> to vector<2048x64xf32>
    %add3A_109 = arith.addf %slice3A, %slice3A_108 : vector<2048x64xf32>
    %slice3A_110 = vector.extract_strided_slice %add3A_109 {offsets = [0, 0], sizes = [2048, 32], strides = [1, 1]} : vector<2048x64xf32> to vector<2048x32xf32>
    %slice3A_111 = vector.extract_strided_slice %add3A_109 {offsets = [0, 32], sizes = [2048, 32], strides = [1, 1]} : vector<2048x64xf32> to vector<2048x32xf32>
    %add3A_112 = arith.addf %slice3A_110, %slice3A_111 : vector<2048x32xf32>
    %slice3A_113 = vector.extract_strided_slice %add3A_112 {offsets = [0, 0], sizes = [2048, 16], strides = [1, 1]} : vector<2048x32xf32> to vector<2048x16xf32>
    %slice3A_114 = vector.extract_strided_slice %add3A_112 {offsets = [0, 16], sizes = [2048, 16], strides = [1, 1]} : vector<2048x32xf32> to vector<2048x16xf32>
    %add3A_115 = arith.addf %slice3A_113, %slice3A_114 : vector<2048x16xf32>
    %slice3A_116 = vector.extract_strided_slice %add3A_115 {offsets = [0, 0], sizes = [2048, 8], strides = [1, 1]} : vector<2048x16xf32> to vector<2048x8xf32>
    %slice3A_117 = vector.extract_strided_slice %add3A_115 {offsets = [0, 8], sizes = [2048, 8], strides = [1, 1]} : vector<2048x16xf32> to vector<2048x8xf32>
    %add3A_118 = arith.addf %slice3A_116, %slice3A_117 : vector<2048x8xf32>
    %slice3A_119 = vector.extract_strided_slice %add3A_118 {offsets = [0, 0], sizes = [2048, 3], strides = [1, 1]} : vector<2048x8xf32> to vector<2048x3xf32>
    %logistic3A = arith.negf %slice3A_119 : vector<2048x3xf32>
    %logistic3A_120 = math.exp %logistic3A : vector<2048x3xf32>
    %logistic3A_121 = arith.constant 1.000000e+00 : f32
    %logistic3A_122 = vector.broadcast %logistic3A_121 : f32 to vector<2048x3xf32>
    %logistic3A_123 = arith.addf %logistic3A_122, %logistic3A_120 : vector<2048x3xf32>
    %logistic3A_124 = arith.divf %logistic3A_122, %logistic3A_123 : vector<2048x3xf32>
    %swap3A = arith.constant 0 : index
    %swap3A_125 = arith.constant 0 : index
    %swap3A_126 = vector.load %arg10[%swap3A, %swap3A_125] : memref<2048x3xf32, #tpu.memory_space<vmem>>, vector<2048x3xf32>
    tpu.vector_store %arg10[%swap3A, %swap3A_125], %logistic3A_124 {strides = array<i32>} : memref<2048x3xf32, #tpu.memory_space<vmem>>, vector<2048x3xf32>,
    return
  }
  func.func @transform_0(%arg0: i32) -> (i32, i32) {
    %c0_i32 = arith.constant 0 : i32
    %c0_i32_0 = arith.constant 0 : i32
    return %arg0, %c0_i32 : i32, i32
  }
  func.func @transform_1(%arg0: i32) -> (i32, i32) {
    %c0_i32 = arith.constant 0 : i32
    %c0_i32_0 = arith.constant 0 : i32
    return %arg0, %c0_i32 : i32, i32
  }
  func.func @transform_2(%arg0: i32) -> (i32, i32) {
    %c0_i32 = arith.constant 0 : i32
    %c0_i32_0 = arith.constant 0 : i32
    return %arg0, %c0_i32 : i32, i32
  }
  func.func @transform_3(%arg0: i32) -> (i32, i32) {
    %c0_i32 = arith.constant 0 : i32
    %c0_i32_0 = arith.constant 0 : i32
    %c0_i32_1 = arith.constant 0 : i32
    return %c0_i32, %c0_i32_0 : i32, i32
  }
  func.func @transform_4(%arg0: i32) -> (i32, i32) {
    %c0_i32 = arith.constant 0 : i32
    %c0_i32_0 = arith.constant 0 : i32
    %c0_i32_1 = arith.constant 0 : i32
    return %c0_i32, %c0_i32_0 : i32, i32
  }
  func.func @transform_5(%arg0: i32) -> (i32, i32) {
    %c0_i32 = arith.constant 0 : i32
    %c0_i32_0 = arith.constant 0 : i32
    %c0_i32_1 = arith.constant 0 : i32
    return %c0_i32, %c0_i32_0 : i32, i32
  }
  func.func @transform_6(%arg0: i32) -> (i32, i32) {
    %c0_i32 = arith.constant 0 : i32
    %c0_i32_0 = arith.constant 0 : i32
    %c0_i32_1 = arith.constant 0 : i32
    return %c0_i32, %c0_i32_0 : i32, i32
  }
  func.func @transform_7(%arg0: i32) -> (i32, i32) {
    %c0_i32 = arith.constant 0 : i32
    %c0_i32_0 = arith.constant 0 : i32
    %c0_i32_1 = arith.constant 0 : i32
    return %c0_i32, %c0_i32_0 : i32, i32
  }
  func.func @transform_8(%arg0: i32) -> (i32, i32) {
    %c0_i32 = arith.constant 0 : i32
    %c0_i32_0 = arith.constant 0 : i32
    %c0_i32_1 = arith.constant 0 : i32
    return %c0_i32, %c0_i32_0 : i32, i32
  }
  func.func @transform_9(%arg0: i32) -> (i32, i32) {
    %c0_i32 = arith.constant 0 : i32
    %c0_i32_0 = arith.constant 0 : i32
    return %arg0, %c0_i32 : i32, i32
  }
}

</mosaic_0001>

<sc_bundles>
// kernel: kernel.4.cloned.1.call-start
scs
__scs_entry_jumppad:
0x0: {  	(pc) =	sbr.rel $0x88, $3  }
0x1: {  	(tag) =	ssettag $0x0;
	lr =	simm.s32 $0x1  }
0x2: {  	[smem:$0x3F97] =	sst lr;
	_ =	strace $0xD0000000  }
0x3: {  	_ = 	snop  }
0x4: {  	_ = 	snop  }
0x5: {  	_ = 	snop  }
0x6: {  	_ = 	snop  }
0x7: {  	_ = 	snop  }
__scs_overlays_trampoline_lowered:
0x8: {  	[smem:$0x3FA6] =	sst s0  }
0x9: {  	[smem:$0x3FA7] =	sst s1  }
0xa: {  	[smem:$0x3FA8] =	sst s2  }
0xb: {  	[smem:$0x3FA9] =	sst s3  }
0xc: {  	[smem:$0x3FAA] =	sst s4  }
0xd: {  	[smem:$0x3FAB] =	sst s5  }
0xe: {  	[smem:$0x3FAC] =	sst s6  }
0xf: {  	[smem:$0x3FAD] =	sst s7  }
0x10: {  	[smem:$0x3FAE] =	sst s8  }
0x11: {  	[smem:$0x3FAF] =	sst s9;
	s0 =	simm.s32 @!p0 $0x0  }
0x12: {  	s1 =	sld [smem:$0x3F95];
	s0 =	simm.s32 @p0 $0x1  }
0x13: {  	[smem:$0x3FB0] =	sst s0;
	s0 =	simm.s32 @!p1 $0x0  }
0x14: {  	s2 =	sld [smem:$0x3F94];
	s0 =	simm.s32 @p1 $0x1  }
0x15: {  	[smem:$0x3FB1] =	sst s0;
	s0 =	simm.s32 @!p2 $0x0  }
0x16: {  	s3 =	sld [smem:$0x3FDB];
	s0 =	simm.s32 @p2 $0x1  }
0x17: {  	s4 =	simm.s32 $0x1BF5;
	[smem:$0x3FB3] =	sst s0  }
0x18: {  	s0 =	sld [smem:$0x3F96];
	_ =	swait.ge [sflag:s4], $0x0  }
0x19: {  	s7 =	sld [smem:$0x3F97]  }
0x1a: {  	s8 =	sadd.s32 $0xFFFFE003, lr  }
0x1b: {  	s9 =	sadd.s32 $0xFFFFFEF7, lr;
	s5 =	simm.s32 $0xFFFFFFFF;
	p2 =	slt.u32 s8, $0xFFFFF086  }
0x1c: {  	p1 =	slt.u32 s9, $0xF7A;
	s5 =	simm.s32 @!p2 $0x0  }
0x1d: {  	s5 =	simm.s32 @p1 $0x1;
	p0 =	seq.s32 s7, s2  }
0x1e: {  	s7 =	smul.u32 @!p0 $0xF7A, s2;
	p2 =	seq.s32 @!p0 s5, $0x0  }
0x1f: {  	s9 =	smul.u32 $0xF7A, s1;
	s8 =	simm.s32 @!p0 $0x1BF5;
	p2 =	por !p2, p0  }
0x20: {  	[sflag:s8] =	ssyncset.s32 @!p0 $0xFFFFF086;
	s6 =	sadd.s32 @!p0 s3, s7;
	s7 =	simm.s32 @!p0 $0x108  }
0x21: {  	s3 =	sadd.s32 s3, s9;
	s6 =	sadd.s32 @!p0 $0x88, s6;
	s7 =	simm.s32 @p2 $0x1082  }
0x22: {  	[simem:s7], [sflag:s8] =	dma.local @!p0 [hbm:s6], $0xF7A  }
0x23: {  	s9 =	sor.u32 $0xD0000000, s2;
	s6 =	simm.s32 $0x108;
	_ =	swait.ge @!p0 [sflag:s8], $0x0  }
0x24: {  	s3 =	sadd.s32 $0x88, s3;
	s6 =	simm.s32 @!p1 $0x1082;
	[sflag:s4] =	ssyncset.s32 $0xFFFFF086  }
0x25: {  	[simem:s6], [sflag:s4] =	dma.local [hbm:s3], $0xF7A  }
0x26: {  	[smem:$0x3F97] =	sst s1;
	(tag) =	ssettag s2;
	_ =	strace s9  }
0x27: {  	s1 =	sld [smem:$0x3FA7]  }
0x28: {  	s2 =	sld [smem:$0x3FA8]  }
0x29: {  	s4 =	sld [smem:$0x3FAA]  }
0x2a: {  	p0 =	seq.s32 s5, $0x0;
	s5 =	sld [smem:$0x3FAB]  }
0x2b: {  	s6 =	sld [smem:$0x3FAC]  }
0x2c: {  	s7 =	sld [smem:$0x3FAD]  }
0x2d: {  	s3 =	simm.s32 $0x108;
	s8 =	sld [smem:$0x3FAE]  }
0x2e: {  	s3 =	simm.s32 @!p0 $0x1082;
	s9 =	sld [smem:$0x3FAF]  }
0x2f: {  	lr =	sadd.s32 s0, s3;
	s0 =	sld [smem:$0x3FA6]  }
0x30: {  	s3 =	sld [smem:$0x3FA9]  }
0x31: {  	[smem:$0x3FB2] =	sst s10  }
0x32: {  	s10 =	sld [smem:$0x3FB0];
	_ =	sdelay $0x3  }
0x33: {  	p0 =	seq.s32 s10, $0x1;
	s10 =	sld [smem:$0x3FB2];
	_ =	sdelay $0x3  }
0x34: {  	[smem:$0x3FB2] =	sst s10  }
0x35: {  	s10 =	sld [smem:$0x3FB1];
	_ =	sdelay $0x3  }
0x36: {  	p1 =	seq.s32 s10, $0x1;
	s10 =	sld [smem:$0x3FB2];
	_ =	sdelay $0x3  }
0x37: {  	[smem:$0x3FB2] =	sst s10  }
0x38: {  	s10 =	sld [smem:$0x3FB3]  }
0x39: {  	_ = 	snop;
	(pc) =	sbr.ind lr, $3  }
0x3a: {  	_ = 	snop  }
0x3b: {  	_ = 	snop  }
0x3c: {  	p2 =	seq.s32 s10, $0x1;
	s10 =	sld [smem:$0x3FB2]  }
0x3d: {  	_ =	shalt  }
0x3e: {  	_ =	shalt  }
0x3f: {  	_ =	shalt  }
0x40: {  	_ =	shalt  }
0x41: {  	_ =	shalt  }
0x42: {  	_ =	shalt  }
0x43: {  	_ =	shalt  }
0x44: {  	_ =	shalt  }
0x45: {  	_ =	shalt  }
0x46: {  	_ =	shalt  }
0x47: {  	_ =	shalt  }
0x48: {  	_ =	shalt  }
0x49: {  	_ =	shalt  }
0x4a: {  	_ =	shalt  }
0x4b: {  	_ =	shalt  }
0x4c: {  	_ =	shalt  }
0x4d: {  	_ =	shalt  }
0x4e: {  	_ =	shalt  }
0x4f: {  	_ =	shalt  }
0x50: {  	_ =	shalt  }
0x51: {  	_ =	shalt  }
0x52: {  	_ =	shalt  }
0x53: {  	_ =	shalt  }
0x54: {  	_ =	shalt  }
0x55: {  	_ =	shalt  }
0x56: {  	_ =	shalt  }
0x57: {  	_ =	shalt  }
0x58: {  	_ =	shalt  }
0x59: {  	_ =	shalt  }
0x5a: {  	_ =	shalt  }
0x5b: {  	_ =	shalt  }
0x5c: {  	_ =	shalt  }
0x5d: {  	_ =	shalt  }
0x5e: {  	_ =	shalt  }
0x5f: {  	_ =	shalt  }
0x60: {  	_ =	shalt  }
0x61: {  	_ =	shalt  }
0x62: {  	_ =	shalt  }
0x63: {  	_ =	shalt  }
0x64: {  	_ =	shalt  }
0x65: {  	_ =	shalt  }
0x66: {  	_ =	shalt  }
0x67: {  	_ =	shalt  }
0x68: {  	_ =	shalt  }
0x69: {  	_ =	shalt  }
0x6a: {  	_ =	shalt  }
0x6b: {  	_ =	shalt  }
0x6c: {  	_ =	shalt  }
0x6d: {  	_ =	shalt  }
0x6e: {  	_ =	shalt  }
0x6f: {  	_ =	shalt  }
0x70: {  	_ =	shalt  }
0x71: {  	_ =	shalt  }
0x72: {  	_ =	shalt  }
0x73: {  	_ =	shalt  }
0x74: {  	_ =	shalt  }
0x75: {  	_ =	shalt  }
0x76: {  	_ =	shalt  }
0x77: {  	_ =	shalt  }
0x78: {  	_ =	shalt  }
0x79: {  	_ =	shalt  }
0x7a: {  	_ =	shalt  }
0x7b: {  	_ =	shalt  }
0x7c: {  	_ =	shalt  }
0x7d: {  	_ =	shalt  }
0x7e: {  	_ =	shalt  }
0x7f: {  	_ =	shalt  }
0x80: {  	_ =	shalt  }
0x81: {  	_ =	shalt  }
0x82: {  	_ =	shalt  }
0x83: {  	_ =	shalt  }
0x84: {  	_ =	shalt  }
0x85: {  	_ =	shalt  }
0x86: {  	_ =	shalt  }
0x87: {  	_ =	shalt  }
.Lfunc_end0:
.L_simem_size_0:
called_computation_lowered:
.L_overlay_start_0:
0x88: {  	s2 =	sld [smem:$0x3FD9]  }
0x89: {  	s3 =	sld [smem:$0x3FFE];
	_ =	sdelay $0x1  }
0x8a: {  	s1 =	srdreg.scid  }
0x8b: {  	s0 =	sand.u32 $0x1, s1  }
0x8c: {  	s17 =	sshll.u32 s0, $0xA;
	s2 =	sadd.s32 s3, s2  }
0x8d: {  	s2 =	sadd.s32 s2, s17  }
0x8e: {  	[smem:$0x3FBE] =	sst s2  }
0x8f: {  	_ = 	snop  }
0x90: {  	s2 =	sld [smem:$0x3FD0];
	(tm) =	ssettm $0x1  }
0x91: {  	s18 =	sld [smem:$0x3FFB];
	_ =	sdelay $0x3  }
0x92: {  	_ =	strace s18  }
0x93: {  	s3 =	sld [smem:$0x3FFC];
	_ =	sdelay $0x3  }
0x94: {  	_ =	strace s3  }
0x95: {  	s3 =	sld [smem:$0x3FFD];
	_ =	sdelay $0x3  }
0x96: {  	_ =	strace s3  }
0x97: {  	_ =	strace $0x8FFFFFFF  }
0x98: {  	s19 =	sld [smem:$0x3FDB];
	_ =	sdelay $0x1  }
0x99: {  	s4 =	simm.s32 $_scs_section_size  }
0x9a: {  	s5 =	simm.s32 $_size__tile_overlayer_lowered;
	s6 =	simm.s32 $_tile_overlayer_lowered  }
0x9b: {  	s22 =	simm.s32 $0x1BFF;
	s21 =	sshll.u32 s6, $0x1;
	s3 =	sadd.s32 s4, s19  }
0x9c: {  	s7 =	simm.s32 $0x0;
	s20 =	sshll.u32 s5, $0x1;
	s5 =	sadd.s32 s21, s3  }
0x9d: {  	[timem:s7], [sflag:s22] =	dma.local [hbm:s5], s20  }
0x9e: {  	_ =	swait.ge [sflag:s22], s20  }
0x9f: {  	s4 =	ssub.s32 $0x0, s20;
	[sflag:s22] =	ssyncset.done $0x0  }
0xa0: {  	[sflag:s22] =	ssyncadd.s32 s4;
	_ =	sdelay $0x1  }
0xa1: {  	s23 =	simm.s32 $0x1B8B  }
0xa2: {  	_ =	swait.ge [sflag:s23], $0x1  }
0xa3: {  	[sflag:s23] =	ssyncset.done $0x0  }
0xa4: {  	s25 =	simm.s32 $0x1B8E;
	s24 =	sld [smem:$0x3FFE];
	[sflag:s23] =	ssyncadd.s32 $0xFFFFFFFF  }
0xa5: {  	s26 =	simm.s32 $execute0_lowered;
	[smem:$0x3FD2] =	sst s25  }
0xa6: {  	s5 =	sshll.u32 s26, $0x1;
	_ =	strace $0x80000046;
	[dreg:$0x1] =	wrdreg $0xFFFFFFFF  }
0xa7: {  	s28 =	simm.s32 $_size_execute0_lowered;
	s3 =	sadd.s32 s3, s5;
	[dreg:$0x0] =	wrdreg $0x0  }
0xa8: {  	s5 =	sshll.u32 s28, $0x1;
	[dreg:$0x2] =	wrdreg s3  }
0xa9: {  	[dreg:$0x3] =	wrdreg s5  }
0xaa: {  	[dreg:$0x4] =	wrdreg $0xC0  }
0xab: {  	_ =	task [dreg:s7], $0x5FFFF  }
0xac: {  	[dreg:$0x1] =	wrdreg $0xFFFFFFFF  }
0xad: {  	[dreg:$0x0] =	wrdreg $0x60  }
0xae: {  	[dreg:$0x2] =	wrdreg s24  }
0xaf: {  	[dreg:$0x3] =	wrdreg s2  }
0xb0: {  	[dreg:$0x4] =	wrdreg $0x9  }
0xb1: {  	_ =	task.clear_ibuf [dreg:s7], $0x5FFFF;
	_ =	strace $0x90000046  }
0xb2: {  	s29 =	simm.s32 $0x9;
	_ =	strace $0x80000048  }
0xb3: {  	_ =	swait.ge [sflag:s29], $0x1  }
0xb4: {  	[sflag:s29] =	ssyncadd.s32 $0xFFFFFFFF  }
0xb5: {  	_ =	strace $0x90000048  }
0xb6: {  	_ =	sfence  }
0xb7: {  	s30 =	sld [smem:$0x0];
	_ =	sdelay $0x2  }
0xb8: {  	s31 =	sshll.u32 s1, $0xD;
	s1 =	sshrl.u32 s1, $0x2  }
0xb9: {  	s3 =	sand.u32 $0x4000, s31;
	s1 =	sadd.s32 s1, s30  }
0xba: {  	s0 =	sor.u32 s3, s0;
	s1 =	sshll.u32 s1, $0x11  }
0xbb: {  	s0 =	sor.u32 s1, s0  }
0xbc: {  	s0 =	sadd.s32 $0x8F2B, s0  }
0xbd: {  	[sflag:s0] =	ssyncadd.remote.s32 $0x1  }
0xbe: {  	_ =	sfence.sel $0xFFFF  }
0xbf: {  	[dreg:$0x0] =	wrdreg $0xFFFFFFFF;
	(pc) =	sbr.abs _section_cstart, $3  }
0xc0: {  	[dreg:$0x1] =	wrdreg $0xFFFFFFFF  }
0xc1: {  	_ =	task.clear_ibuf [dreg:s7], $0x2FFFF;
	_ =	strace $0x9FFFFFFF  }
0xc2: {  	(tm) =	ssettm $0x7FFFFFFF  }
0xc3: {  	_ =	shalt  }
tec
execute0_lowered:
.L_overlay_start_1:
0x0: {  	(tag) =	ssettag $0x1  }
0x1: {  	s4 =	rddreg [dreg:$0x0]  }
0x2: {  	s6 =	rddreg [dreg:$0x1]  }
0x3: {  	s0 =	rddreg [dreg:$0x2];
	s3 =	srdreg.scid  }
0x4: {  	s2 =	simm.s32 $0x0;
	s1 =	stileid.u32;
	s10 =	simm.s32 $0x400  }
0x5: {  	s11 =	simm.s32 $0x800;
	s12 =	simm.s32 $0xC00;
	s13 =	simm.s32 $0x2400  }
0x6: {  	s14 =	simm.s32 $0x0;
	s3 =	sand.u32 $0x1, s3;
	[smem:$0x7FF] =	sst s2  }
0x7: {  	s5 =	sshll.u32 s1, $0x8;
	s7 =	sshll.u32 s3, $0x7;
	s30 =	ssub.s32 $0x2, s3  }
0x8: {  	_ =	strace $0x80000047;
	s7 =	sor.u32 s7, s5;
	s31 =	sshrl.u32 s30, $0x1  }
0x9: {  	s3 =	sadd.s32 $0x2A00, s4;
	s8 =	sadd.s32 s7, s4;
	s9 =	ssub.s32 s30, s31  }
0xa: {  	s6 =	sadd.s32 s6, s7;
	s4 =	sadd.s32 $0x1A00, s8;
	s5 =	sadd.s32 $0xA00, s8  }
0xb: {  	v16 =	vimm.s32 $0x0;
	s7 =	sadd.s32 $0x2E00, s8;
	s8 =	smax.u32 s9, $0x1;
	s9 =	simm.s32 $0x1  }
.LBB2_1:
0xc: {  	[tilespmem:s2], [sflag:$0x1] =	stream.linear.gather [hbm4b:s4+s2], $0x400, $0x38;
	[tilespmem:$0x2800] =	vst v63  }
0xd: {  	_ =	swait.ge [sflag:s9], $0x400  }
0xe: {  	[sflag:s9] =	ssyncset.done $0x0  }
0xf: {  	[sflag:s9] =	ssyncadd.s32 $0xFFFFFC00  }
0x10: {  	[tilespmem:s10], [sflag:$0x1] =	stream.linear.gather [hbm4b:s5+s2], $0x400, $0x38;
	[tilespmem:$0x2800] =	vst v63  }
0x11: {  	_ =	swait.ge [sflag:s9], $0x400  }
0x12: {  	[sflag:s9] =	ssyncset.done $0x0  }
0x13: {  	[sflag:s9] =	ssyncadd.s32 $0xFFFFFC00  }
0x14: {  	[tilespmem:s11], [sflag:$0x1] =	stream.linear.gather [hbm4b:s6+s2], $0x400, $0x38;
	[tilespmem:$0x2800] =	vst v63  }
0x15: {  	_ =	swait.ge [sflag:s9], $0x400  }
0x16: {  	[sflag:s9] =	ssyncset.done $0x0  }
0x17: {  	[sflag:s9] =	ssyncadd.s32 $0xFFFFFC00  }
0x18: {  	[tilespmem:s12], [sflag:$0x1] =	stream.linear.gather [hbm4b:s3+s2], $0x1800, $0x38;
	[tilespmem:$0x2800] =	vst v63  }
0x19: {  	_ =	swait.ge [sflag:s9], $0x1800  }
0x1a: {  	[sflag:s9] =	ssyncset.done $0x0  }
0x1b: {  	[sflag:s9] =	ssyncadd.s32 $0xFFFFE800  }
0x1c: {  	v13 =	vld [tilespmem:$0xC00]  }
0x1d: {  	v59 =	vld [tilespmem:$0xD00]  }
0x1e: {  	v12 =	vld [tilespmem:$0xD80]  }
0x1f: {  	v10 =	vld [tilespmem:$0xE00]  }
0x20: {  	v7 =	vld [tilespmem:$0xE80]  }
0x21: {  	v60 =	vld [tilespmem:$0xF00]  }
0x22: {  	v57 =	vld [tilespmem:$0x1380]  }
0x23: {  	v15 =	vld [tilespmem:$0x1400]  }
0x24: {  	v2 =	vld [tilespmem:$0x1480]  }
0x25: {  	v17 =	vld [tilespmem:$0x1600]  }
0x26: {  	v1 =	vld [tilespmem:$0x1880]  }
0x27: {  	s15 =	simm.s32 $0x0;
	v22 =	vld [tilespmem:$0x1C00]  }
0x28: {  	v3 =	vld [tilespmem:s15+$0x400]  }
0x29: {  	v46 =	vld [tilespmem:s15+$0x0]  }
0x2a: {  	v8 =	vld [tilespmem:s15+$0x800]  }
0x2b: {  	v23 =	vld [tilespmem:$0x1B80]  }
0x2c: {  	v54 =	vld [tilespmem:$0x1580]  }
0x2d: {  	v9 =	vld [tilespmem:$0x1680]  }
0x2e: {  	v14 =	vld [tilespmem:$0x1D80];
	[tilespmem:$0x1FF60] =	vst v1;
	v0 =	vsub.f32 v3, v15;
	v1 =	vsub.f32 v3, v1  }
0x2f: {  	v11 =	vld [tilespmem:$0x1C80];
	[tilespmem:$0x1FE70] =	vst v2;
	v2 =	vsub.f32 v3, v2;
	v4 =	vsub.f32 v46, v57  }
0x30: {  	v21 =	vld [tilespmem:$0x1F80];
	v5 =	vsub.f32 v8, v22;
	v6 =	vsub.f32 v46, v12  }
0x31: {  	v20 =	vld [tilespmem:$0x1780];
	v19 =	vsub.f32 v3, v17;
	v24 =	vsub.f32 v3, v23  }
0x32: {  	v58 =	vld [tilespmem:$0x1000];
	v25 =	vsub.f32 v46, v59;
	v26 =	vsub.f32 v46, v7  }
0x33: {  	v62 =	vld [tilespmem:$0x1D00];
	v38 =	vsub.f32 v3, v9;
	v28 =	vsub.f32 v8, v14  }
0x34: {  	v18 =	vld [tilespmem:$0x1500];
	v29 =	vsub.f32 v3, v54;
	v30 =	vsub.f32 v8, v11  }
0x35: {  	[tilespmem:$0x1FF10] =	vst v7;
	v7 =	vld [tilespmem:$0x1700];
	v31 =	vsub.f32 v46, v13;
	v40 =	vsub.f32 v8, v21;
	v0 =	vmul.f32 v0, v0  }
0x36: {  	[tilespmem:$0x1FF40] =	vst v11;
	v33 =	vsub.f32 v3, v20;
	v11 =	vld [tilespmem:$0x1980];
	v2 =	vmul.f32 v2, v2;
	v5 =	vmul.f32 v5, v5  }
0x37: {  	v36 =	vsub.f32 v46, v58;
	v4 =	vmul.f32 v4, v4;
	v34 =	vmul.f32 v25, v25;
	v25 =	vld [tilespmem:$0xF80]  }
0x38: {  	v41 =	vsub.f32 v8, v62;
	v27 =	vmul.f32 v24, v24;
	v39 =	vmul.f32 v26, v26;
	v26 =	vld [tilespmem:$0x2180]  }
0x39: {  	v42 =	vsub.f32 v3, v18;
	v37 =	vmul.f32 v19, v19;
	v32 =	vmul.f32 v29, v29;
	v29 =	vld [tilespmem:$0x1900]  }
0x3a: {  	v44 =	vsub.f32 v46, v10;
	v31 =	vmul.f32 v31, v31;
	v43 =	vmul.f32 v30, v30;
	v30 =	vld [tilespmem:$0xC80]  }
0x3b: {  	v47 =	vsub.f32 v46, v60;
	v6 =	vmul.f32 v6, v6;
	v48 =	vmul.f32 v33, v33;
	v33 =	vld [tilespmem:$0x2000]  }
0x3c: {  	v41 =	vmul.f32 v41, v41;
	v36 =	vmul.f32 v36, v36;
	v19 =	vadd.f32 v27, v4;
	v27 =	vld [tilespmem:$0x1F00]  }
0x3d: {  	v4 =	vmul.f32 v28, v28;
	v28 =	vld [tilespmem:$0x1800];
	v0 =	vadd.f32 v0, v31;
	v6 =	vadd.f32 v32, v6  }
0x3e: {  	v42 =	vmul.f32 v42, v42;
	v31 =	vld [tilespmem:$0x1180];
	v35 =	vsub.f32 v3, v7;
	v61 =	vsub.f32 v3, v11  }
0x3f: {  	v47 =	vmul.f32 v47, v47;
	v0 =	vadd.f32 v5, v0;
	v45 =	vsub.f32 v8, v26  }
0x40: {  	[tilespmem:$0x1FF20] =	vst v9;
	v44 =	vmul.f32 v44, v44;
	v51 =	vsub.f32 v3, v29;
	v52 =	vsub.f32 v46, v25  }
0x41: {  	v40 =	vmul.f32 v40, v40;
	v9 =	vsub.f32 v46, v30;
	[tilespmem:$0x1FED0] =	vst v0;
	v0 =	vadd.f32 v42, v34  }
0x42: {  	v63 =	vmul.f32 v35, v35;
	v34 =	vsub.f32 v8, v33;
	v49 =	vsub.f32 v8, v27  }
0x43: {  	v35 =	vld [tilespmem:$0x1100];
	v50 =	vsub.f32 v3, v28;
	v52 =	vmul.f32 v52, v52;
	v55 =	vsub.f32 v46, v31  }
0x44: {  	[tilespmem:$0x1FEF0] =	vst v14;
	v14 =	vld [tilespmem:$0x1080];
	v56 =	vadd.f32 v63, v47;
	v32 =	vmul.f32 v9, v9;
	v9 =	vmul.f32 v34, v34  }
0x45: {  	[tilespmem:$0x1FEB0] =	vst v10;
	v0 =	vadd.f32 v41, v0;
	v34 =	vld [tilespmem:$0x1280];
	v5 =	vmul.f32 v50, v50;
	v10 =	vadd.f32 v48, v52  }
0x46: {  	[tilespmem:$0x1FF50] =	vst v62;
	v62 =	vmul.f32 v38, v38;
	v50 =	vadd.f32 v37, v44;
	v37 =	vld [tilespmem:$0x2100];
	v47 =	vadd.f32 v2, v32  }
0x47: {  	v51 =	vmul.f32 v51, v51;
	v5 =	vadd.f32 v5, v36;
	v36 =	vld [tilespmem:$0x2080];
	v2 =	vadd.f32 v40, v10  }
0x48: {  	v52 =	vadd.f32 v62, v39;
	v49 =	vmul.f32 v49, v49;
	[tilespmem:$0x1FF00] =	vst v0;
	v10 =	vsub.f32 v46, v35  }
0x49: {  	v39 =	vld [tilespmem:$0x1200];
	v0 =	vmul.f32 v1, v1;
	[tilespmem:$0x1FFC0] =	vst v2;
	v2 =	vadd.f32 v4, v6;
	v4 =	vsub.f32 v46, v14  }
0x4a: {  	v40 =	vld [tilespmem:$0x1A00];
	v53 =	vadd.f32 v43, v47;
	v43 =	vadd.f32 v49, v56;
	v6 =	vmul.f32 v61, v61  }
0x4b: {  	v32 =	vld [tilespmem:$0x1E00];
	v38 =	vmul.f32 v10, v10;
	v62 =	vsub.f32 v46, v34;
	v4 =	vmul.f32 v4, v4  }
0x4c: {  	v24 =	vmovc v8;
	v61 =	vmul.f32 v45, v45;
	v45 =	vld [tilespmem:$0x2200];
	v1 =	vsub.f32 v8, v37;
	v63 =	vsub.f32 v8, v36  }
0x4d: {  	[tilespmem:$0x1FF30] =	vst v2;
	v2 =	vadd.f32 v9, v5;
	v8 =	vld [tilespmem:$0x1A80];
	v0 =	vadd.f32 v0, v4;
	v4 =	vmul.f32 v55, v55  }
0x4e: {  	v10 =	vld [tilespmem:$0x1E80];
	v1 =	vmul.f32 v1, v1;
	v55 =	vadd.f32 v51, v38;
	v41 =	vmul.f32 v63, v63  }
0x4f: {  	v5 =	vsub.f32 v3, v40;
	v38 =	vld [tilespmem:$0x1B00];
	v4 =	vadd.f32 v6, v4  }
0x50: {  	v44 =	vld [tilespmem:$0x1300];
	v41 =	vadd.f32 v41, v0;
	v0 =	vadd.f32 v1, v55  }
0x51: {  	v9 =	vld [tilespmem:$0x2280];
	v42 =	vsub.f32 v24, v45;
	v6 =	vsub.f32 v46, v39  }
0x52: {  	v63 =	vsub.f32 v3, v8;
	[tilespmem:$0x1FFE0] =	vst v0;
	v0 =	vadd.f32 v61, v4  }
0x53: {  	s16 =	simm.s32 $0x10;
	[tilespmem:$0x1FE80] =	vst v17;
	v17 =	vld [tilespmem:$0x2300];
	v4 =	vmul.f32 v5, v5;
	v5 =	vmul.f32 v6, v6;
	v6 =	vsub.f32 v24, v32  }
0x54: {  	v51 =	vmul.f32 v62, v62;
	v47 =	vsub.f32 v24, v10;
	v61 =	vsub.f32 v3, v38;
	v3 =	vld [tilespmem:s16+$0x0]  }
0x55: {  	v46 =	vsub.f32 v46, v44;
	v55 =	vmul.f32 v63, v63;
	v6 =	vmul.f32 v6, v6  }
0x56: {  	[tilespmem:$0x1FFF0] =	vst v0;
	v4 =	vadd.f32 v4, v5;
	v0 =	vsub.f32 v24, v9  }
0x57: {  	v46 =	vmul.f32 v46, v46;
	v63 =	vld [tilespmem:s16+$0x400];
	v51 =	vadd.f32 v55, v51;
	v62 =	vadd.f32 v6, v50  }
0x58: {  	v50 =	vmul.f32 v42, v42;
	v42 =	vmul.f32 v61, v61;
	v61 =	vsub.f32 v24, v17  }
0x59: {  	[tilespmem:$0x1FDD0] =	vst v13;
	v0 =	vmul.f32 v0, v0;
	v56 =	vsub.f32 v3, v57;
	v13 =	vsub.f32 v3, v13  }
0x5a: {  	v50 =	vadd.f32 v50, v4;
	v4 =	vadd.f32 v42, v46;
	v42 =	vmul.f32 v47, v47  }
0x5b: {  	v1 =	vsub.f32 v3, v12;
	v51 =	vadd.f32 v0, v51  }
0x5c: {  	[tilespmem:$0x1FDA0] =	vst v57;
	v47 =	vmul.f32 v61, v61;
	v57 =	vadd.f32 v42, v52;
	v42 =	vsub.f32 v63, v23  }
0x5d: {  	v49 =	vsub.f32 v63, v15;
	v0 =	vsub.f32 v63, v54  }
0x5e: {  	[tilespmem:$0x1FFD0] =	vst v2;
	v2 =	vmul.f32 v56, v56;
	v46 =	vadd.f32 v47, v4;
	v4 =	vmul.f32 v42, v42  }
0x5f: {  	v1 =	vmul.f32 v1, v1;
	v0 =	vmul.f32 v0, v0  }
0x60: {  	v52 =	vadd.f32 v4, v2;
	v2 =	vmul.f32 v49, v49;
	v4 =	vmul.f32 v13, v13  }
0x61: {  	[tilespmem:$0x1FDF0] =	vst v54;
	v54 =	vadd.f32 v0, v1;
	v0 =	vsub.f32 v3, v60  }
0x62: {  	v6 =	vadd.f32 v2, v4;
	v2 =	vsub.f32 v63, v7;
	_ =	sdelay $0x1  }
0x63: {  	v61 =	vld [tilespmem:s16+$0x800];
	v0 =	vmul.f32 v0, v0;
	v2 =	vmul.f32 v2, v2;
	_ =	sdelay $0x1  }
0x64: {  	[tilespmem:$0x1FDE0] =	vst v12;
	v12 =	vadd.f32 v2, v0;
	v0 =	vld [tilespmem:$0x1FE80];
	_ =	sdelay $0x2  }
0x65: {  	[tilespmem:$0x1FDC0] =	vst v15;
	v15 =	vsub.f32 v61, v22;
	_ =	sdelay $0x1  }
0x66: {  	[tilespmem:$0x1FDB0] =	vst v23;
	v23 =	vsub.f32 v3, v58;
	v5 =	vmul.f32 v15, v15;
	v2 =	vsub.f32 v63, v0;
	v0 =	vld [tilespmem:$0x1FEB0]  }
0x67: {  	[tilespmem:$0x1FE00] =	vst v22;
	v1 =	vsub.f32 v63, v28;
	v22 =	vsub.f32 v63, v18  }
0x68: {  	v4 =	vsub.f32 v3, v59;
	v13 =	vadd.f32 v5, v6;
	v5 =	vld [tilespmem:$0x1FED0]  }
0x69: {  	v1 =	vmul.f32 v1, v1;
	v6 =	vmul.f32 v23, v23  }
0x6a: {  	v55 =	vmul.f32 v22, v22;
	v4 =	vmul.f32 v4, v4  }
0x6b: {  	[tilespmem:$0x1FE50] =	vst v7;
	v7 =	vadd.f32 v1, v6;
	v1 =	vld [tilespmem:$0x1FE70];
	v0 =	vsub.f32 v3, v0  }
0x6c: {  	v42 =	vadd.f32 v55, v4  }
0x6d: {  	vm0 =	vlt.f32 v53, v5;
	v4 =	vmul.f32 v2, v2;
	v0 =	vmul.f32 v0, v0  }
0x6e: {  	v53 =	vsel vm0, v53, v5;
	v5 =	vld [tilespmem:$0x1FEF0]  }
0x6f: {  	v15 =	vadd.f32 v4, v0;
	v0 =	vld [tilespmem:$0x1FF10]  }
0x70: {  	v6 =	vsub.f32 v63, v1;
	v1 =	vsub.f32 v3, v30;
	_ =	sdelay $0x1  }
0x71: {  	v48 =	vsub.f32 v3, v25;
	v6 =	vmul.f32 v6, v6;
	v1 =	vmul.f32 v1, v1  }
0x72: {  	v47 =	vsub.f32 v63, v20;
	v49 =	vsub.f32 v61, v5;
	v5 =	vld [tilespmem:$0x1FF00]  }
0x73: {  	v1 =	vadd.f32 v6, v1;
	v6 =	vsub.f32 v3, v0;
	v0 =	vld [tilespmem:$0x1FF20]  }
0x74: {  	v56 =	vmul.f32 v48, v48;
	v55 =	vmul.f32 v47, v47;
	v2 =	vsub.f32 v61, v21;
	_ =	sdelay $0x1  }
0x75: {  	v55 =	vadd.f32 v55, v56;
	v2 =	vmul.f32 v2, v2  }
0x76: {  	vm4 =	vlt.f32 v5, v53  }
0x77: {  	[tilespmem:$0x1FEE0] =	vst v21;
	v21 =	vsel vm4, v5, v53;
	v53 =	vadd.f32 v2, v55;
	v2 =	vsub.f32 v63, v0;
	v0 =	vld [tilespmem:$0x1FF40];
	_ =	sdelay $0x2  }
0x78: {  	v4 =	vmul.f32 v49, v49;
	_ =	sdelay $0x1  }
0x79: {  	[tilespmem:$0x1FE10] =	vst v59;
	v59 =	vadd.f32 v4, v54;
	v4 =	vmul.f32 v6, v6;
	v6 =	vsub.f32 v61, v0;
	v0 =	vld [tilespmem:$0x1FF50];
	_ =	sdelay $0x4  }
0x7a: {  	v22 =	vsub.f32 v61, v0;
	v0 =	vld [tilespmem:$0x1FF60];
	_ =	sdelay $0x1  }
0x7b: {  	v5 =	vld [tilespmem:$0x1FF30];
	_ =	sdelay $0x1  }
0x7c: {  	v2 =	vmul.f32 v2, v2  }
0x7d: {  	[tilespmem:$0x1FEA0] =	vst v25;
	v25 =	vsub.f32 v63, v0  }
0x7e: {  	[tilespmem:$0x1FF70] =	vst v14;
	v0 =	vsub.f32 v3, v14;
	v14 =	vadd.f32 v2, v4;
	v4 =	vmul.f32 v6, v6  }
0x7f: {  	vm5 =	vlt.f32 v5, v21  }
0x80: {  	v23 =	vsel vm5, v5, v21;
	v1 =	vadd.f32 v4, v1;
	v4 =	vsub.f32 v61, v33  }
0x81: {  	v49 =	vsub.f32 v61, v36;
	vm6 =	vlt.f32 v62, v23;
	v0 =	vmul.f32 v0, v0  }
0x82: {  	[tilespmem:$0x1FE40] =	vst v28;
	v55 =	vsel vm6, v62, v23;
	v28 =	vmul.f32 v25, v25;
	v4 =	vmul.f32 v4, v4  }
0x83: {  	v48 =	vsub.f32 v63, v11;
	v21 =	vsub.f32 v3, v31;
	vm7 =	vlt.f32 v57, v55  }
0x84: {  	v5 =	vadd.f32 v28, v0;
	v54 =	vadd.f32 v4, v7;
	v4 =	vmul.f32 v49, v49  }
0x85: {  	[tilespmem:$0x1FEC0] =	vst v30;
	v23 =	vmul.f32 v21, v21;
	v30 =	vsel vm7, v57, v55  }
0x86: {  	v2 =	vmul.f32 v48, v48;
	v55 =	vadd.f32 v4, v5;
	v5 =	vsub.f32 v61, v26  }
0x87: {  	v47 =	vsub.f32 v63, v29  }
0x88: {  	[tilespmem:$0x1FE30] =	vst v58;
	v58 =	vsub.f32 v3, v35;
	v2 =	vadd.f32 v2, v23;
	v7 =	vld [tilespmem:$0x1FFC0];
	v5 =	vmul.f32 v5, v5  }
0x89: {  	[tilespmem:$0x1FFA0] =	vst v11;
	v11 =	vmul.f32 v47, v47;
	v6 =	vmul.f32 v22, v22  }
0x8a: {  	v22 =	vmul.f32 v58, v58;
	v0 =	vsub.f32 v61, v37;
	v56 =	vadd.f32 v5, v2;
	v2 =	vld [tilespmem:$0x1FFD0]  }
0x8b: {  	vm8 =	vlt.f32 v43, v30  }
0x8c: {  	v25 =	vadd.f32 v11, v22;
	v0 =	vmul.f32 v0, v0;
	v4 =	vsel vm8, v43, v30  }
0x8d: {  	v6 =	vadd.f32 v6, v42;
	vm10 =	vlt.f32 v7, v4  }
0x8e: {  	vm9 =	vlt.f32 v1, v13;
	v57 =	vadd.f32 v0, v25;
	v4 =	vsel vm10, v7, v4  }
0x8f: {  	v0 =	vsel vm9, v1, v13;
	v1 =	vsub.f32 v63, v40;
	vm11 =	vlt.f32 v2, v4  }
0x90: {  	vm1 =	vlt.f32 v6, v0;
	v2 =	vsel vm11, v2, v4;
	v4 =	vsub.f32 v3, v39  }
0x91: {  	v28 =	vsub.f32 v63, v8;
	v43 =	vmovc v26;
	v26 =	vsel vm1, v6, v0;
	v0 =	vsub.f32 v61, v45  }
0x92: {  	v1 =	vmul.f32 v1, v1;
	v6 =	vsub.f32 v3, v34;
	v4 =	vmul.f32 v4, v4  }
0x93: {  	v0 =	vmul.f32 v0, v0  }
0x94: {  	v1 =	vadd.f32 v1, v4;
	v4 =	vmul.f32 v6, v6;
	v6 =	vmul.f32 v28, v28  }
0x95: {  	v30 =	vsub.f32 v61, v10;
	v5 =	vsub.f32 v61, v27  }
0x96: {  	vm3 =	vlt.f32 v41, v2;
	v7 =	vadd.f32 v6, v4;
	v4 =	vadd.f32 v0, v1  }
0x97: {  	v0 =	vsel vm3, v41, v2;
	v1 =	vmul.f32 v30, v30;
	v2 =	vsel vm0, $0x1, v16  }
0x98: {  	[tilespmem:$0x1FF90] =	vst v29;
	v29 =	vsub.f32 v61, v32;
	v5 =	vmul.f32 v5, v5;
	v2 =	vsel vm4, $0x2, v2  }
0x99: {  	v62 =	vadd.f32 v1, v14;
	v1 =	vsel vm5, $0x3, v2;
	v2 =	vld [tilespmem:$0x1FFE0]  }
0x9a: {  	[tilespmem:$0x1FE60] =	vst v60;
	vm2 =	vlt.f32 v59, v26;
	v60 =	vadd.f32 v5, v12;
	v5 =	vmul.f32 v29, v29  }
0x9b: {  	v58 =	vsel vm2, v59, v26;
	v59 =	vld [tilespmem:$0x2380];
	v6 =	vsub.f32 v61, v9  }
0x9c: {  	v5 =	vadd.f32 v5, v15  }
0x9d: {  	v63 =	vsub.f32 v63, v38;
	v6 =	vmul.f32 v6, v6  }
0x9e: {  	[tilespmem:$0x1FE20] =	vst v18;
	v3 =	vsub.f32 v3, v44;
	vm0 =	vlt.f32 v5, v58;
	vm4 =	vlt.f32 v2, v0  }
0x9f: {  	[tilespmem:$0x1FF80] =	vst v33;
	v0 =	vsel vm4, v2, v0;
	v2 =	vsel vm0, v5, v58;
	v5 =	vadd.f32 v6, v7;
	v7 =	vld [tilespmem:$0x1FFF0]  }
0xa0: {  	[tilespmem:$0x1FFB0] =	vst v36;
	v33 =	vmov v32;
	v32 =	vsub.f32 v24, v59  }
0xa1: {  	v47 =	vmovc v8;
	v36 =	vmovc v35;
	v3 =	vmul.f32 v3, v3;
	v1 =	vsel vm6, $0x4, v1;
	v6 =	vmul.f32 v63, v63  }
0xa2: {  	[tilespmem:$0x1FE90] =	vst v20;
	v35 =	vmovc v37;
	v48 =	vmovc v40;
	v42 =	vmov v31;
	v37 =	vmov v39;
	v1 =	vsel vm7, $0x5, v1  }
0xa3: {  	v49 =	vmovc v10;
	v40 =	vmovc v34;
	v31 =	vsel vm8, $0x6, v1;
	v58 =	vmul.f32 v32, v32;
	v1 =	vadd.f32 v6, v3  }
0xa4: {  	v34 =	vmovc v45;
	v45 =	vmovc v44;
	v3 =	vsel vm10, $0x7, v31;
	v6 =	vsub.f32 v61, v17;
	vm5 =	vlt.f32 v7, v0  }
0xa5: {  	v39 =	vmovc v27;
	v44 =	vmovc v38;
	v61 =	vsub.f32 v61, v59;
	v63 =	vsel vm11, $0x8, v3;
	v0 =	vsel vm5, v7, v0  }
0xa6: {  	s17 =	simm.s32 $0x80;
	v38 =	vmovc v17;
	v41 =	vmovc v9;
	v3 =	vmul.f32 v6, v6;
	v6 =	vsel vm9, $0x1, v16;
	vm6 =	vlt.f32 v50, v0  }
.LBB2_2:
0xa7: {  	v9 =	vld [tilespmem:$0x1FE00]  }
0xa8: {  	v13 =	vld [tilespmem:$0x1FDB0]  }
0xa9: {  	v15 =	vld [tilespmem:$0x1FEF0]  }
0xaa: {  	v17 =	vld [tilespmem:$0x1FDF0]  }
0xab: {  	v22 =	vld [tilespmem:$0x1FDD0]  }
0xac: {  	v23 =	vld [tilespmem:$0x1FE90]  }
0xad: {  	s18 =	sshra.s32 s17, $0x2;
	v6 =	vsel vm1, $0x2, v6;
	v7 =	vsel vm3, $0x9, v63;
	v8 =	vadd.f32 v58, v19;
	v24 =	vld [tilespmem:$0x1FE50]  }
0xae: {  	v58 =	vmul.f32 v61, v61;
	vm1 =	vlt.f32 v62, v2;
	v63 =	vld [tilespmem:s18+$0x400];
	v3 =	vadd.f32 v3, v1  }
0xaf: {  	v1 =	vsel vm4, $0xA, v7;
	v7 =	vsel vm6, v50, v0;
	v0 =	vld [tilespmem:s18+$0x0];
	v6 =	vsel vm2, $0x3, v6  }
0xb0: {  	v25 =	vld [tilespmem:$0x1FE30];
	v50 =	vmovc v4;
	v4 =	vsel vm5, $0xB, v1;
	vm3 =	vlt.f32 v51, v7;
	v6 =	vsel vm0, $0x4, v6  }
0xb1: {  	v27 =	vld [tilespmem:$0x1FE20];
	v2 =	vsel vm1, v62, v2;
	v4 =	vsel vm6, $0xC, v4;
	v7 =	vsel vm3, v51, v7  }
0xb2: {  	v28 =	vld [tilespmem:$0x1FEB0];
	vm2 =	vlt.f32 v60, v2;
	v6 =	vsel vm1, $0x5, v6;
	v4 =	vsel vm3, $0xD, v4  }
0xb3: {  	v1 =	vld [tilespmem:s18+$0x800];
	vm3 =	vlt.f32 v46, v7;
	v2 =	vsel vm2, v60, v2;
	v29 =	vsub.f32 v63, v13  }
0xb4: {  	v20 =	vld [tilespmem:$0x1FF40];
	v4 =	vsel vm3, $0xE, v4;
	v13 =	vsub.f32 v0, v40;
	v17 =	vsub.f32 v63, v17  }
0xb5: {  	v21 =	vld [tilespmem:$0x1FEE0];
	v51 =	vmovc v5;
	v5 =	vsel vm3, v46, v7;
	v22 =	vsub.f32 v0, v22;
	v23 =	vsub.f32 v63, v23  }
0xb6: {  	v46 =	vmovc v3;
	v3 =	vld [tilespmem:$0x1FDC0];
	vm0 =	vlt.f32 v53, v2;
	v24 =	vsub.f32 v63, v24;
	v25 =	vsub.f32 v0, v25  }
0xb7: {  	v26 =	vld [tilespmem:$0x1FF50];
	vm3 =	vlt.f32 v8, v5;
	v27 =	vsub.f32 v63, v27;
	v28 =	vsub.f32 v0, v28  }
0xb8: {  	v30 =	vld [tilespmem:$0x1FF10];
	v62 =	vsub.f32 v63, v47;
	v2 =	vsel vm0, v53, v2;
	v31 =	vsub.f32 v1, v9  }
0xb9: {  	v19 =	vmovc v52;
	v7 =	vld [tilespmem:$0x1FF60];
	v4 =	vsel vm3, $0xF, v4;
	v15 =	vsub.f32 v1, v15;
	v61 =	vsub.f32 v1, v59  }
0xba: {  	v20 =	vsub.f32 v1, v20;
	v21 =	vsub.f32 v1, v21;
	[tilespmem:s15+$0x2400] =	vst v4;
	v4 =	vld [tilespmem:$0x1FF20];
	v52 =	vmul.f32 v29, v29  }
0xbb: {  	v5 =	vld [tilespmem:$0x1FE70];
	v17 =	vmul.f32 v17, v17;
	v22 =	vmul.f32 v22, v22;
	v3 =	vsub.f32 v63, v3  }
0xbc: {  	v8 =	vld [tilespmem:$0x1FDA0];
	v26 =	vsub.f32 v1, v26;
	v23 =	vmul.f32 v23, v23;
	v25 =	vmul.f32 v25, v25  }
0xbd: {  	vm5 =	vlt.f32 v54, v2;
	v27 =	vmul.f32 v27, v27;
	v32 =	vmul.f32 v3, v3;
	v3 =	vld [tilespmem:$0x1FDE0]  }
0xbe: {  	v29 =	vsub.f32 v1, v39;
	v24 =	vmul.f32 v24, v24;
	v28 =	vmul.f32 v28, v28  }
0xbf: {  	v12 =	vmul.f32 v31, v31;
	v31 =	vsub.f32 v0, v30;
	v11 =	vsub.f32 v63, v4;
	v4 =	vld [tilespmem:$0x1FE10]  }
0xc0: {  	v13 =	vmul.f32 v13, v13;
	v2 =	vsel vm5, v54, v2;
	v20 =	vmul.f32 v20, v20;
	v30 =	vld [tilespmem:$0x1FF90]  }
0xc1: {  	v7 =	vsub.f32 v63, v7;
	v5 =	vsub.f32 v63, v5;
	v16 =	vmul.f32 v31, v31;
	v31 =	vld [tilespmem:$0x1FE40]  }
0xc2: {  	v21 =	vmul.f32 v21, v21;
	v8 =	vsub.f32 v0, v8;
	v10 =	vsub.f32 v0, v3  }
0xc3: {  	v9 =	vadd.f32 v32, v22;
	v22 =	vmul.f32 v26, v26;
	v32 =	vld [tilespmem:$0x1FEA0];
	v11 =	vmul.f32 v11, v11  }
0xc4: {  	v26 =	vsub.f32 v1, v43;
	v3 =	vld [tilespmem:$0x1FE80];
	v4 =	vsub.f32 v0, v4;
	v10 =	vmul.f32 v10, v10  }
0xc5: {  	v8 =	vmul.f32 v8, v8;
	v30 =	vsub.f32 v63, v30;
	v11 =	vadd.f32 v11, v16;
	v16 =	vld [tilespmem:$0x1FFB0]  }
0xc6: {  	v31 =	vsub.f32 v63, v31;
	v14 =	vmul.f32 v4, v4;
	v10 =	vadd.f32 v17, v10;
	v17 =	vld [tilespmem:$0x1FE60]  }
0xc7: {  	v7 =	vmul.f32 v7, v7;
	v52 =	vadd.f32 v52, v8;
	v9 =	vadd.f32 v12, v9  }
0xc8: {  	v12 =	vsub.f32 v0, v32;
	v14 =	vadd.f32 v27, v14;
	v27 =	vmul.f32 v31, v31;
	v31 =	vld [tilespmem:$0x1FEC0]  }
0xc9: {  	v8 =	vmul.f32 v15, v15;
	v15 =	vsub.f32 v1, v49;
	v3 =	vsub.f32 v63, v3  }
0xca: {  	v32 =	vsub.f32 v63, v48;
	v4 =	vsub.f32 v1, v33;
	v12 =	vmul.f32 v12, v12  }
0xcb: {  	v16 =	vsub.f32 v1, v16;
	v18 =	vmul.f32 v3, v3;
	v17 =	vsub.f32 v0, v17  }
0xcc: {  	v5 =	vmul.f32 v5, v5;
	v12 =	vadd.f32 v23, v12;
	v23 =	vsub.f32 v1, v34  }
0xcd: {  	v18 =	vadd.f32 v18, v28;
	v28 =	vld [tilespmem:$0x1FF80];
	v31 =	vsub.f32 v0, v31;
	v17 =	vmul.f32 v17, v17  }
0xce: {  	v30 =	vmul.f32 v30, v30;
	v8 =	vadd.f32 v8, v10;
	v3 =	vsub.f32 v1, v38  }
0xcf: {  	v17 =	vadd.f32 v24, v17;
	v24 =	vmul.f32 v29, v29;
	v29 =	vmul.f32 v31, v31;
	v31 =	vld [tilespmem:$0x1FFA0]  }
0xd0: {  	v15 =	vmul.f32 v15, v15;
	v25 =	vadd.f32 v27, v25;
	v27 =	vsub.f32 v0, v42  }
0xd1: {  	v4 =	vmul.f32 v4, v4;
	v14 =	vadd.f32 v22, v14;
	v5 =	vadd.f32 v5, v29;
	v29 =	vld [tilespmem:$0x1FF70]  }
0xd2: {  	v22 =	vsub.f32 v0, v37;
	v23 =	vmul.f32 v23, v23;
	v28 =	vsub.f32 v1, v28  }
0xd3: {  	v60 =	vmul.f32 v27, v27;
	v5 =	vadd.f32 v20, v5;
	v20 =	vsub.f32 v0, v36  }
0xd4: {  	v27 =	vmul.f32 v22, v22;
	v3 =	vmul.f32 v3, v3;
	v31 =	vsub.f32 v63, v31  }
0xd5: {  	v12 =	vadd.f32 v21, v12;
	v28 =	vmul.f32 v28, v28;
	v20 =	vmul.f32 v20, v20  }
0xd6: {  	vm3 =	vlt.f32 v5, v9;
	v10 =	vsub.f32 v0, v29;
	v21 =	vmul.f32 v31, v31  }
0xd7: {  	v29 =	vmul.f32 v32, v32;
	v31 =	vsub.f32 v1, v35;
	v32 =	vmul.f32 v16, v16  }
0xd8: {  	v16 =	vadd.f32 v28, v25;
	v5 =	vsel vm3, v5, v9;
	v1 =	vsub.f32 v1, v41  }
0xd9: {  	v28 =	vsel vm2, $0x6, v6;
	v0 =	vsub.f32 v0, v45;
	v20 =	vadd.f32 v30, v20  }
0xda: {  	vm1 =	vlt.f32 v14, v5;
	v30 =	vadd.f32 v4, v18;
	v10 =	vmul.f32 v10, v10  }
0xdb: {  	v54 =	vmovc v16;
	v16 =	vimm.s32 $0x0;
	v5 =	vsel vm1, v14, v5;
	v9 =	vadd.f32 v29, v27  }
0xdc: {  	v1 =	vmul.f32 v1, v1;
	v6 =	vsel vm3, $0x1, v16;
	vm3 =	vlt.f32 v55, v2  }
0xdd: {  	vm2 =	vlt.f32 v8, v5;
	v7 =	vadd.f32 v7, v10;
	v10 =	vmul.f32 v26, v26  }
0xde: {  	v26 =	vmul.f32 v62, v62;
	v4 =	vadd.f32 v23, v9;
	v2 =	vsel vm3, v55, v2  }
0xdf: {  	v5 =	vsel vm2, v8, v5;
	v7 =	vadd.f32 v32, v7;
	v32 =	vmul.f32 v31, v31  }
0xe0: {  	v62 =	vadd.f32 v15, v11;
	v8 =	vsub.f32 v63, v44;
	vm4 =	vlt.f32 v57, v2  }
0xe1: {  	p0 =	sne.s32 s17, $0xFC0;
	v13 =	vadd.f32 v26, v13;
	v31 =	vsel vm4, v57, v2;
	v25 =	vadd.f32 v32, v20  }
.Ltmp0:
0xe2: {  	v20 =	vadd.f32 v21, v60;
	v60 =	vadd.f32 v24, v17;
	v55 =	vmovc v7;
	v7 =	vsel vm0, $0x7, v28;
	(pc) =	sbr.rel @p0 .LBB2_2-.Ltmp0, $4  }
0xe3: {  	v32 =	vmul.f32 v0, v0;
	vm0 =	vlt.f32 v30, v5;
	v63 =	vsel vm5, $0x8, v7  }
0xe4: {  	v7 =	vmul.f32 v8, v8;
	vm5 =	vlt.f32 v56, v31;
	v10 =	vadd.f32 v10, v20  }
0xe5: {  	v2 =	vsel vm0, v30, v5;
	v5 =	vadd.f32 v1, v13;
	v0 =	vsel vm5, v56, v31  }
0xe6: {  	s17 =	sadd.s32 $0x40, s17;
	s15 =	smov.u32 s16;
	s16 =	smov.u32 s18;
	v53 =	vmovc v12;
	v57 =	vmovc v25;
	v1 =	vadd.f32 v7, v32;
	vm6 =	vlt.f32 v50, v0;
	v56 =	vmov v10  }
0xe7: {  	vm7 =	vlt.f32 v62, v2  }
0xe8: {  	v2 =	vsel vm7, v62, v2  }
0xe9: {  	vm8 =	vlt.f32 v60, v2  }
0xea: {  	v2 =	vsel vm8, v60, v2  }
0xeb: {  	vm9 =	vlt.f32 v53, v2  }
0xec: {  	v2 =	vsel vm9, v53, v2  }
0xed: {  	v7 =	vsel vm3, $0x9, v63;
	v6 =	vsel vm1, $0x2, v6;
	vm12 =	vlt.f32 v54, v2  }
0xee: {  	v0 =	vsel vm6, v50, v0;
	v59 =	vadd.f32 v58, v19;
	v2 =	vsel vm12, v54, v2  }
0xef: {  	v8 =	vmul.f32 v61, v61;
	v7 =	vsel vm4, $0xA, v7;
	vm13 =	vlt.f32 v55, v2  }
0xf0: {  	v1 =	vadd.f32 v3, v1;
	v54 =	vsel vm2, $0x3, v6;
	v2 =	vsel vm13, v55, v2  }
0xf1: {  	vm14 =	vlt.f32 v51, v0;
	v3 =	vsel vm0, $0x4, v54;
	vm15 =	vlt.f32 v57, v2  }
0xf2: {  	v7 =	vsel vm5, $0xB, v7;
	v3 =	vsel vm7, $0x5, v3;
	v2 =	vsel vm15, v57, v2  }
0xf3: {  	v0 =	vsel vm14, v51, v0;
	v3 =	vsel vm8, $0x6, v3;
	vm10 =	vlt.f32 v56, v2  }
0xf4: {  	v61 =	vadd.f32 v8, v52;
	v3 =	vsel vm9, $0x7, v3;
	v2 =	vsel vm10, v56, v2  }
0xf5: {  	v7 =	vsel vm6, $0xC, v7;
	v3 =	vsel vm12, $0x8, v3;
	vm12 =	vlt.f32 v4, v2  }
0xf6: {  	vm11 =	vlt.f32 v46, v0;
	v3 =	vsel vm13, $0x9, v3;
	v2 =	vsel vm12, v4, v2  }
0xf7: {  	v7 =	vsel vm14, $0xD, v7;
	v3 =	vsel vm15, $0xA, v3;
	vm13 =	vlt.f32 v5, v2  }
0xf8: {  	v0 =	vsel vm11, v46, v0;
	v3 =	vsel vm10, $0xB, v3;
	v2 =	vsel vm13, v5, v2  }
0xf9: {  	v60 =	vsel vm11, $0xE, v7;
	v3 =	vsel vm12, $0xC, v3;
	vm14 =	vlt.f32 v1, v2  }
0xfa: {  	vm2 =	vlt.f32 v59, v0;
	v62 =	vsel vm13, $0xD, v3;
	v1 =	vsel vm14, v1, v2  }
0xfb: {  	s14 =	sadd.s32 $0x1, s14;
	v63 =	vsel vm2, $0xF, v60;
	v0 =	vsel vm14, $0xE, v62;
	vm15 =	vlt.f32 v61, v1  }
0xfc: {  	p0 =	sne.s32 s14, s8;
	[tilespmem:s15+$0x2400] =	vst v63;
	v0 =	vsel vm15, $0xF, v0  }
.Ltmp1:
0xfd: {  	[tilespmem:s16+$0x2400] =	vst v0;
	(pc) =	sbr.rel @p0 .LBB2_1-.Ltmp1, $4  }
0xfe: {  	[hbm4b:s7+s2] =	stream.linear.scatter [tilespmem:s13], [sflag:$0x1], $0x400, $0x38;
	[tilespmem:$0x2800] =	vst v63  }
0xff: {  	_ =	swait.ge [sflag:s9], $0x400  }
0x100: {  	[sflag:s9] =	ssyncset.done $0x0  }
0x101: {  	[sflag:s9] =	ssyncadd.s32 $0xFFFFFC00  }
0x102: {  	_ =	sfence.sel $0x180000  }
0x103: {  	[bflag:$0x0] =	sbarrier.arrive $0xFFFF  }
0x104: {  	p0 =	sne.s32 s1, $0x0;
	_ =	strace $0x90000047  }
0x105: {  	s0 =	sadd.s32 @!p0 $0x100000, s0;
	[bflag:$0x2] =	sbarrier.arrive $0xFFFF  }
0x106: {  	[sflag:s0] =	ssyncadd.tile.s32 @!p0 $0x1;
	_ =	shalt  }
.Lfunc_end2:
_tile_overlayer_lowered:
.L_overlay_start_2:
0x107: {  	(tag) =	ssettag $0x2  }
0x108: {  	s0 =	rddreg [dreg:$0x0];
	s2 =	stileid.u32  }
0x109: {  	s1 =	rddreg [dreg:$0x1];
	p0 =	sne.s32 s2, $0x0  }
0x10a: {  	s3 =	rddreg [dreg:$0x2];
	[bflag:$0x3] =	sbarrier.arrive $0xFFFF;
	s2 =	simm.s32 @!p0 $0x1C01  }
0x10b: {  	[timem:s3], [sflag:s2] =	dma.local @!p0 [hbm:s0], s1  }
0x10c: {  	s0 =	simm.s32 @!p0 $0x1  }
0x10d: {  	_ =	swait.ge @!p0 [sflag:s0], s1  }
0x10e: {  	s1 =	ssub.s32 @!p0 $0x0, s1;
	[sflag:s0] =	ssyncset.done @!p0 $0x0  }
0x10f: {  	[sflag:s0] =	ssyncadd.s32 @!p0 s1  }
0x110: {  	[bflag:$0x3] =	sbarrier.arrive $0xFFFF  }
0x111: {  	_ =	shalt  }

</sc_bundles>
